<compile_context>
chip_gen: v7x
topology: tpu7x:2x2x1
jax: 0.10.2.dev20260603
libtpu: 0.0.44.dev20260713+nightly
codegen_flags: <defaults>
</compile_context>

<pallas_src>
import functools

import jax
import jax.numpy as jnp
from jax import lax
from jax.experimental import pallas as pl
from jax.experimental.pallas import tpu as pltpu
from jax.experimental.pallas import tpu_sc as plsc

SEQ = 200
D = 64
SCALE = 8.0
LANES = 16
CHUNKS = ((0, 104), (104, 96))
NBUF = 3


@functools.lru_cache(maxsize=None)
def _make_kernel(batch: int, vocab: int):
    info = plsc.get_sparse_core_info()
    nc, ns = info.num_cores, info.num_subcores
    nw = nc * ns
    assert batch % nw == 0
    s_per_w = batch // nw

    mesh = plsc.VectorSubcoreMesh(core_axis_name="c", subcore_axis_name="s")

    @functools.partial(
        pl.kernel,
        mesh=mesh,
        out_type=jax.ShapeDtypeStruct((batch, SEQ, 2 * D), jnp.float32),
        scratch_types=[
            pltpu.VMEM((s_per_w * SEQ,), jnp.int32),
            pltpu.VMEM((NBUF, SEQ, 2 * D), jnp.float32),
            pltpu.VMEM((SEQ, 2 * D), jnp.float32),
            pltpu.SemaphoreType.DMA,
            pltpu.SemaphoreType.DMA,
        ],
    )
    def k(in_hbm, tok_hbm, pos_hbm, out_hbm, idx_v, rows_v, pos_v, gsem, wsem):
        wid = lax.axis_index("s") * nc + lax.axis_index("c")
        base = pl.multiple_of(wid * s_per_w, 8)
        ibase = pl.multiple_of(wid * (s_per_w * SEQ), 8)
        pltpu.sync_copy(pos_hbm, pos_v)
        pltpu.sync_copy(in_hbm.at[pl.ds(ibase, s_per_w * SEQ)], idx_v)

        def fire_gather(s, buf):
            for c0, clen in CHUNKS:
                pltpu.async_copy(
                    tok_hbm.at[idx_v.at[pl.ds(pl.multiple_of(s * SEQ + c0, 8), clen)]],
                    rows_v.at[buf, pl.ds(c0, clen)],
                    gsem,
                )

        def wait_gather(s, buf):
            for c0, clen in CHUNKS:
                pltpu.make_async_copy(
                    tok_hbm.at[idx_v.at[pl.ds(pl.multiple_of(s * SEQ + c0, 8), clen)]],
                    rows_v.at[buf, pl.ds(c0, clen)],
                    gsem,
                ).wait()

        def wait_write_one():
            pltpu.make_async_copy(rows_v.at[0], out_hbm.at[base], wsem).wait()

        fire_gather(0, 0)

        def body(s, carry):
            buf = lax.rem(s, NBUF)
            nxt = lax.rem(s + 1, NBUF)

            @pl.when(s >= NBUF - 1)
            def _():
                wait_write_one()

            @pl.when(s + 1 < s_per_w)
            def _():
                fire_gather(s + 1, nxt)

            wait_gather(s, buf)

            @plsc.parallel_loop(0, SEQ, step=1, unroll=8)
            def _(r):
                for j in range(D // LANES):
                    sl = pl.ds(j * LANES, LANES)
                    rows_v[buf, r, sl] = rows_v[buf, r, sl] * SCALE + pos_v[r, sl]

            pltpu.async_copy(rows_v.at[buf], out_hbm.at[base + s], wsem)
            return carry

        lax.fori_loop(0, s_per_w, body, 0)
        for _ in range(NBUF - 1):
            wait_write_one()

    return k


def kernel(input_, token_table, position_table):
    batch, seq = input_.shape
    vocab, d = token_table.shape
    assert seq == SEQ and d == D
    tok2 = jnp.pad(token_table, ((0, 0), (0, D)))
    pos2 = jnp.concatenate([position_table, position_table], axis=1)
    idxf = input_.astype(jnp.int32).reshape(-1)
    k = _make_kernel(batch, vocab)
    out = k(idxf, tok2, pos2)
    return out[:, :, :D]

# --- scband reference (transcript-rebuilt; emitter-appended) ---
"""Pipeline reference for scband-positional-embedding-24962349924548 (READ-ONLY COPY).

The authoritative reference and input builder live on the scoring server;
editing this copy changes nothing except your own understanding.
"""

import jax, jax.numpy as jnp
import numpy as np

SEQ_LENGTH = 200
VOCAB_SIZE = 1000000
EMBED_DIM = 64
BATCH = 4096

def setup_inputs(seed: int = 0) -> dict:
    key = jax.random.key(seed)
    k1, k2, k3 = jax.random.split(key, 3)
    input_ = jax.random.randint(k1, (BATCH, SEQ_LENGTH), 0, VOCAB_SIZE, dtype=jnp.int64 if jax.config.jax_enable_x64 else jnp.int32)
    token_table = jax.random.normal(k2, (VOCAB_SIZE, EMBED_DIM), dtype=jnp.float32) * 0.02
    position_table = jax.random.normal(k3, (SEQ_LENGTH, EMBED_DIM), dtype=jnp.float32) * 0.02
    return {"input_": input_, "token_table": token_table, "position_table": position_table}

def reference(input_, token_table, position_table):
    length = input_.shape[-1]
    positions = jnp.arange(length)
    embed_scale = jnp.sqrt(jnp.asarray(EMBED_DIM, dtype=jnp.float32))
    embedded_tokens = jnp.take(token_table, input_, axis=0)
    embedded_tokens = embedded_tokens * embed_scale
    embedded_positions = jnp.take(position_table, positions, axis=0)
    return embedded_tokens + embedded_positions

if __name__ == "__main__":
    import jax
    _d = setup_inputs()
    print(jax.jit(kernel)(*tuple(_d.values())))

</pallas_src>

<mosaic_0001>
#map = affine_map<(d0, d1) -> (0)>
#map1 = affine_map<(d0, d1) -> (0, 0)>
#map2 = affine_map<(d0, d1) -> (0, 0, 0)>
module attributes {stable_mosaic.version = 14 : i64} {
  func.func @k(%arg0: i32, %arg1: i32, %arg2: memref<819200xi32, #tpu.memory_space<hbm>>, %arg3: memref<1000000x128xf32, #tpu.memory_space<hbm>>, %arg4: memref<200x128xf32, #tpu.memory_space<hbm>>, %arg5: memref<4096x200x128xf32, #tpu.memory_space<hbm>>, %arg6: memref<25600xi32, #tpu.memory_space<vmem>>, %arg7: memref<3x200x128xf32, #tpu.memory_space<vmem>>, %arg8: memref<200x128xf32, #tpu.memory_space<vmem>>, %arg9: memref<!tpu.dma_semaphore, #tpu.memory_space<semaphore_mem>>, %arg10: memref<!tpu.dma_semaphore, #tpu.memory_space<semaphore_mem>>) attributes {dimension_semantics = [#tpu.dimension_semantics<core_parallel>, #tpu.dimension_semantics<subcore_parallel>], iteration_bounds = array<i64: 2, 16>, scalar_prefetch = 0 : i64, scratch_operands = 5 : i64, tpu.core_type = #tpu.core_type<sc_vector_subcore>, window_params = [{transform_indices = #map}, {transform_indices = #map1}, {transform_indices = #map1}, {transform_indices = #map2}]} {
    %mul3A = arith.constant 2 : i32
    %mul3A_0 = arith.muli %arg1, %mul3A : i32
    %add3A = arith.addi %mul3A_0, %arg0 : i32
    %mul3A_1 = arith.constant 128 : i32
    %mul3A_2 = arith.muli %add3A, %mul3A_1 : i32
    %multiple_of3A = tpu.assume_multiple %mul3A_2, 8 : i32
    %mul3A_3 = arith.constant 25600 : i32
    %mul3A_4 = arith.muli %add3A, %mul3A_3 : i32
    %multiple_of3A_5 = tpu.assume_multiple %mul3A_4, 8 : i32
    "tpu.region"() ({
      %run_scoped3A = tpu.sem_alloc : memref<!tpu.dma_semaphore, #tpu.memory_space<semaphore_mem>>
      tpu.enqueue_dma source(%arg4 : memref<200x128xf32, #tpu.memory_space<hbm>>) target(%arg8 : memref<200x128xf32, #tpu.memory_space<vmem>>) target_semaphore(%run_scoped3A : memref<!tpu.dma_semaphore, #tpu.memory_space<semaphore_mem>>)
      tpu.wait_dma2 semaphore(%run_scoped3A : memref<!tpu.dma_semaphore, #tpu.memory_space<semaphore_mem>>) src(%arg4 : memref<200x128xf32, #tpu.memory_space<hbm>>) dst(%arg8 : memref<200x128xf32, #tpu.memory_space<vmem>>)
      tpu.yield
    }) : () -> ()
    "tpu.region"() ({
      %run_scoped3A = tpu.sem_alloc : memref<!tpu.dma_semaphore, #tpu.memory_space<semaphore_mem>>
      %dma_start3A_65 = tpu.memref_slice %arg2[%multiple_of3A_5] : memref<819200xi32, #tpu.memory_space<hbm>> -> memref<25600xi32, #tpu.memory_space<hbm>>
      %dma_start3A_66 = tpu.memref_slice %arg2[%multiple_of3A_5] : memref<819200xi32, #tpu.memory_space<hbm>> -> memref<25600xi32, #tpu.memory_space<hbm>>
      tpu.enqueue_dma source(%dma_start3A_66 : memref<25600xi32, #tpu.memory_space<hbm>>) target(%arg6 : memref<25600xi32, #tpu.memory_space<vmem>>) target_semaphore(%run_scoped3A : memref<!tpu.dma_semaphore, #tpu.memory_space<semaphore_mem>>)
      %dma_wait3A_67 = tpu.memref_slice %arg2[%multiple_of3A_5] : memref<819200xi32, #tpu.memory_space<hbm>> -> memref<25600xi32, #tpu.memory_space<hbm>>
      %dma_wait3A_68 = tpu.memref_slice %arg2[%multiple_of3A_5] : memref<819200xi32, #tpu.memory_space<hbm>> -> memref<25600xi32, #tpu.memory_space<hbm>>
      tpu.wait_dma2 semaphore(%run_scoped3A : memref<!tpu.dma_semaphore, #tpu.memory_space<semaphore_mem>>) src(%dma_wait3A_68 : memref<25600xi32, #tpu.memory_space<hbm>>) dst(%arg6 : memref<25600xi32, #tpu.memory_space<vmem>>)
      tpu.yield
    }) : () -> ()
    %multiple_of3A_6 = arith.constant 0 : i32
    %multiple_of3A_7 = tpu.assume_multiple %multiple_of3A_6, 8 : i32
    %dma_start3A = arith.constant 0 : i32
    %dma_start3A_8 = arith.constant 0 : i32
    %dma_start3A_9 = arith.constant 0 : i32
    %dma_start3A_10 = tpu.memref_slice %arg7[%dma_start3A, %dma_start3A_8, %dma_start3A_9] : memref<3x200x128xf32, #tpu.memory_space<vmem>> -> memref<1x104x128xf32, #tpu.memory_space<vmem>>
    %dma_start3A_11 = tpu.memref_squeeze %dma_start3A_10 : memref<1x104x128xf32, #tpu.memory_space<vmem>> -> memref<104x128xf32, #tpu.memory_space<vmem>>
    %dma_start3A_12 = tpu.memref_slice %arg6[%multiple_of3A_7] : memref<25600xi32, #tpu.memory_space<vmem>> -> memref<104xi32, #tpu.memory_space<vmem>>
    %dma_start3A_13 = arith.constant 0 : i32
    %dma_start3A_14 = arith.constant 0 : i32
    %dma_start3A_15 = tpu.memref_slice %arg3[%dma_start3A_13, %dma_start3A_14] : memref<1000000x128xf32, #tpu.memory_space<hbm>> -> memref<1000000x128xf32, #tpu.memory_space<hbm>>
    tpu.enqueue_indirect_dma source(%dma_start3A_15 : memref<1000000x128xf32, #tpu.memory_space<hbm>>) target(%dma_start3A_11 : memref<104x128xf32, #tpu.memory_space<vmem>>) offsets(%dma_start3A_12 : memref<104xi32, #tpu.memory_space<vmem>>) semaphore(%arg9 : memref<!tpu.dma_semaphore, #tpu.memory_space<semaphore_mem>>)
    %multiple_of3A_16 = arith.constant 104 : i32
    %multiple_of3A_17 = tpu.assume_multiple %multiple_of3A_16, 8 : i32
    %dma_start3A_18 = arith.constant 0 : i32
    %dma_start3A_19 = arith.constant 104 : i32
    %dma_start3A_20 = arith.constant 0 : i32
    %dma_start3A_21 = tpu.memref_slice %arg7[%dma_start3A_18, %dma_start3A_19, %dma_start3A_20] : memref<3x200x128xf32, #tpu.memory_space<vmem>> -> memref<1x96x128xf32, #tpu.memory_space<vmem>>
    %dma_start3A_22 = tpu.memref_squeeze %dma_start3A_21 : memref<1x96x128xf32, #tpu.memory_space<vmem>> -> memref<96x128xf32, #tpu.memory_space<vmem>>
    %dma_start3A_23 = tpu.memref_slice %arg6[%multiple_of3A_17] : memref<25600xi32, #tpu.memory_space<vmem>> -> memref<96xi32, #tpu.memory_space<vmem>>
    %dma_start3A_24 = arith.constant 0 : i32
    %dma_start3A_25 = arith.constant 0 : i32
    %dma_start3A_26 = tpu.memref_slice %arg3[%dma_start3A_24, %dma_start3A_25] : memref<1000000x128xf32, #tpu.memory_space<hbm>> -> memref<1000000x128xf32, #tpu.memory_space<hbm>>
    tpu.enqueue_indirect_dma source(%dma_start3A_26 : memref<1000000x128xf32, #tpu.memory_space<hbm>>) target(%dma_start3A_22 : memref<96x128xf32, #tpu.memory_space<vmem>>) offsets(%dma_start3A_23 : memref<96xi32, #tpu.memory_space<vmem>>) semaphore(%arg9 : memref<!tpu.dma_semaphore, #tpu.memory_space<semaphore_mem>>)
    %scan3A = arith.constant 0 : i32
    %scan3A_27 = arith.constant 0 : i32
    %scan3A_28 = arith.constant 128 : i32
    %scan3A_29 = arith.addi %scan3A_27, %scan3A_28 : i32
    %scan3A_30 = arith.constant 1 : i32
    scf.for %scan3A_65 = %scan3A_27 to %scan3A_29 step %scan3A_30  : i32 {
      %rem3A = arith.constant 3 : i32
      %rem3A_66 = arith.remsi %scan3A_65, %rem3A : i32
      %add3A_67 = arith.constant 1 : i32
      %add3A_68 = arith.addi %scan3A_65, %add3A_67 : i32
      %rem3A_69 = arith.constant 3 : i32
      %rem3A_70 = arith.remsi %add3A_68, %rem3A_69 : i32
      %ge3A = arith.constant 2 : i32
      %ge3A_71 = arith.cmpi sge, %scan3A_65, %ge3A : i32
      %convert_element_type3A = arith.extui %ge3A_71 : i1 to i32
      %cond3A = arith.constant 0 : i32
      %cond3A_72 = arith.cmpi ne, %convert_element_type3A, %cond3A : i32
      scf.if %cond3A_72 {
        %dma_wait3A_124 = arith.constant 0 : i32
        %dma_wait3A_125 = arith.constant 0 : i32
        %dma_wait3A_126 = arith.constant 0 : i32
        %dma_wait3A_127 = tpu.memref_slice %arg7[%dma_wait3A_124, %dma_wait3A_125, %dma_wait3A_126] : memref<3x200x128xf32, #tpu.memory_space<vmem>> -> memref<1x200x128xf32, #tpu.memory_space<vmem>>
        %dma_wait3A_128 = tpu.memref_squeeze %dma_wait3A_127 : memref<1x200x128xf32, #tpu.memory_space<vmem>> -> memref<200x128xf32, #tpu.memory_space<vmem>>
        %dma_wait3A_129 = arith.constant 0 : i32
        %dma_wait3A_130 = arith.constant 0 : i32
        %dma_wait3A_131 = tpu.memref_slice %arg5[%multiple_of3A, %dma_wait3A_129, %dma_wait3A_130] : memref<4096x200x128xf32, #tpu.memory_space<hbm>> -> memref<1x200x128xf32, #tpu.memory_space<hbm>>
        %dma_wait3A_132 = tpu.memref_squeeze %dma_wait3A_131 : memref<1x200x128xf32, #tpu.memory_space<hbm>> -> memref<200x128xf32, #tpu.memory_space<hbm>>
        %dma_wait3A_133 = arith.constant 0 : i32
        %dma_wait3A_134 = arith.constant 0 : i32
        %dma_wait3A_135 = tpu.memref_slice %arg5[%multiple_of3A, %dma_wait3A_133, %dma_wait3A_134] : memref<4096x200x128xf32, #tpu.memory_space<hbm>> -> memref<1x200x128xf32, #tpu.memory_space<hbm>>
        %dma_wait3A_136 = tpu.memref_squeeze %dma_wait3A_135 : memref<1x200x128xf32, #tpu.memory_space<hbm>> -> memref<200x128xf32, #tpu.memory_space<hbm>>
        %dma_wait3A_137 = arith.constant 0 : i32
        %dma_wait3A_138 = arith.constant 0 : i32
        %dma_wait3A_139 = tpu.memref_slice %arg7[%dma_wait3A_124, %dma_wait3A_137, %dma_wait3A_138] : memref<3x200x128xf32, #tpu.memory_space<vmem>> -> memref<1x200x128xf32, #tpu.memory_space<vmem>>
        %dma_wait3A_140 = tpu.memref_squeeze %dma_wait3A_139 : memref<1x200x128xf32, #tpu.memory_space<vmem>> -> memref<200x128xf32, #tpu.memory_space<vmem>>
        tpu.wait_dma2 semaphore(%arg10 : memref<!tpu.dma_semaphore, #tpu.memory_space<semaphore_mem>>) src(%dma_wait3A_140 : memref<200x128xf32, #tpu.memory_space<vmem>>) dst(%dma_wait3A_136 : memref<200x128xf32, #tpu.memory_space<hbm>>)
      } else {
      }
      %add3A_73 = arith.constant 1 : i32
      %add3A_74 = arith.addi %scan3A_65, %add3A_73 : i32
      %lt3A = arith.constant 128 : i32
      %lt3A_75 = arith.cmpi slt, %add3A_74, %lt3A : i32
      %convert_element_type3A_76 = arith.extui %lt3A_75 : i1 to i32
      %cond3A_77 = arith.constant 0 : i32
      %cond3A_78 = arith.cmpi ne, %convert_element_type3A_76, %cond3A_77 : i32
      scf.if %cond3A_78 {
        %add3A_124 = arith.constant 1 : i32
        %add3A_125 = arith.addi %scan3A_65, %add3A_124 : i32
        %mul3A_126 = arith.constant 200 : i32
        %mul3A_127 = arith.muli %add3A_125, %mul3A_126 : i32
        %add3A_128 = arith.constant 0 : i32
        %add3A_129 = arith.addi %mul3A_127, %add3A_128 : i32
        %multiple_of3A_130 = tpu.assume_multiple %add3A_129, 8 : i32
        %dma_start3A_131 = arith.constant 0 : i32
        %dma_start3A_132 = arith.constant 0 : i32
        %dma_start3A_133 = tpu.memref_slice %arg7[%rem3A_70, %dma_start3A_131, %dma_start3A_132] : memref<3x200x128xf32, #tpu.memory_space<vmem>> -> memref<1x104x128xf32, #tpu.memory_space<vmem>>
        %dma_start3A_134 = tpu.memref_squeeze %dma_start3A_133 : memref<1x104x128xf32, #tpu.memory_space<vmem>> -> memref<104x128xf32, #tpu.memory_space<vmem>>
        %dma_start3A_135 = tpu.memref_slice %arg6[%multiple_of3A_130] : memref<25600xi32, #tpu.memory_space<vmem>> -> memref<104xi32, #tpu.memory_space<vmem>>
        %dma_start3A_136 = arith.constant 0 : i32
        %dma_start3A_137 = arith.constant 0 : i32
        %dma_start3A_138 = tpu.memref_slice %arg3[%dma_start3A_136, %dma_start3A_137] : memref<1000000x128xf32, #tpu.memory_space<hbm>> -> memref<1000000x128xf32, #tpu.memory_space<hbm>>
        tpu.enqueue_indirect_dma source(%dma_start3A_138 : memref<1000000x128xf32, #tpu.memory_space<hbm>>) target(%dma_start3A_134 : memref<104x128xf32, #tpu.memory_space<vmem>>) offsets(%dma_start3A_135 : memref<104xi32, #tpu.memory_space<vmem>>) semaphore(%arg9 : memref<!tpu.dma_semaphore, #tpu.memory_space<semaphore_mem>>)
        %mul3A_139 = arith.constant 200 : i32
        %mul3A_140 = arith.muli %add3A_125, %mul3A_139 : i32
        %add3A_141 = arith.constant 104 : i32
        %add3A_142 = arith.addi %mul3A_140, %add3A_141 : i32
        %multiple_of3A_143 = tpu.assume_multiple %add3A_142, 8 : i32
        %dma_start3A_144 = arith.constant 104 : i32
        %dma_start3A_145 = arith.constant 0 : i32
        %dma_start3A_146 = tpu.memref_slice %arg7[%rem3A_70, %dma_start3A_144, %dma_start3A_145] : memref<3x200x128xf32, #tpu.memory_space<vmem>> -> memref<1x96x128xf32, #tpu.memory_space<vmem>>
        %dma_start3A_147 = tpu.memref_squeeze %dma_start3A_146 : memref<1x96x128xf32, #tpu.memory_space<vmem>> -> memref<96x128xf32, #tpu.memory_space<vmem>>
        %dma_start3A_148 = tpu.memref_slice %arg6[%multiple_of3A_143] : memref<25600xi32, #tpu.memory_space<vmem>> -> memref<96xi32, #tpu.memory_space<vmem>>
        %dma_start3A_149 = arith.constant 0 : i32
        %dma_start3A_150 = arith.constant 0 : i32
        %dma_start3A_151 = tpu.memref_slice %arg3[%dma_start3A_149, %dma_start3A_150] : memref<1000000x128xf32, #tpu.memory_space<hbm>> -> memref<1000000x128xf32, #tpu.memory_space<hbm>>
        tpu.enqueue_indirect_dma source(%dma_start3A_151 : memref<1000000x128xf32, #tpu.memory_space<hbm>>) target(%dma_start3A_147 : memref<96x128xf32, #tpu.memory_space<vmem>>) offsets(%dma_start3A_148 : memref<96xi32, #tpu.memory_space<vmem>>) semaphore(%arg9 : memref<!tpu.dma_semaphore, #tpu.memory_space<semaphore_mem>>)
      } else {
      }
      %mul3A_79 = arith.constant 200 : i32
      %mul3A_80 = arith.muli %scan3A_65, %mul3A_79 : i32
      %add3A_81 = arith.constant 0 : i32
      %add3A_82 = arith.addi %mul3A_80, %add3A_81 : i32
      %multiple_of3A_83 = tpu.assume_multiple %add3A_82, 8 : i32
      %dma_wait3A_84 = arith.constant 0 : i32
      %dma_wait3A_85 = arith.constant 0 : i32
      %dma_wait3A_86 = tpu.memref_slice %arg7[%rem3A_66, %dma_wait3A_84, %dma_wait3A_85] : memref<3x200x128xf32, #tpu.memory_space<vmem>> -> memref<1x104x128xf32, #tpu.memory_space<vmem>>
      %dma_wait3A_87 = tpu.memref_squeeze %dma_wait3A_86 : memref<1x104x128xf32, #tpu.memory_space<vmem>> -> memref<104x128xf32, #tpu.memory_space<vmem>>
      %dma_wait3A_88 = tpu.memref_slice %arg6[%multiple_of3A_83] : memref<25600xi32, #tpu.memory_space<vmem>> -> memref<104xi32, #tpu.memory_space<vmem>>
      %dma_wait3A_89 = arith.constant 0 : i32
      %dma_wait3A_90 = arith.constant 0 : i32
      %dma_wait3A_91 = tpu.memref_slice %arg3[%dma_wait3A_89, %dma_wait3A_90] : memref<1000000x128xf32, #tpu.memory_space<hbm>> -> memref<1000000x128xf32, #tpu.memory_space<hbm>>
      tpu.wait_indirect_dma semaphore(%arg9 : memref<!tpu.dma_semaphore, #tpu.memory_space<semaphore_mem>>) src(%dma_wait3A_91 : memref<1000000x128xf32, #tpu.memory_space<hbm>>) dst(%dma_wait3A_87 : memref<104x128xf32, #tpu.memory_space<vmem>>)
      %mul3A_92 = arith.constant 200 : i32
      %mul3A_93 = arith.muli %scan3A_65, %mul3A_92 : i32
      %add3A_94 = arith.constant 104 : i32
      %add3A_95 = arith.addi %mul3A_93, %add3A_94 : i32
      %multiple_of3A_96 = tpu.assume_multiple %add3A_95, 8 : i32
      %dma_wait3A_97 = arith.constant 104 : i32
      %dma_wait3A_98 = arith.constant 0 : i32
      %dma_wait3A_99 = tpu.memref_slice %arg7[%rem3A_66, %dma_wait3A_97, %dma_wait3A_98] : memref<3x200x128xf32, #tpu.memory_space<vmem>> -> memref<1x96x128xf32, #tpu.memory_space<vmem>>
      %dma_wait3A_100 = tpu.memref_squeeze %dma_wait3A_99 : memref<1x96x128xf32, #tpu.memory_space<vmem>> -> memref<96x128xf32, #tpu.memory_space<vmem>>
      %dma_wait3A_101 = tpu.memref_slice %arg6[%multiple_of3A_96] : memref<25600xi32, #tpu.memory_space<vmem>> -> memref<96xi32, #tpu.memory_space<vmem>>
      %dma_wait3A_102 = arith.constant 0 : i32
      %dma_wait3A_103 = arith.constant 0 : i32
      %dma_wait3A_104 = tpu.memref_slice %arg3[%dma_wait3A_102, %dma_wait3A_103] : memref<1000000x128xf32, #tpu.memory_space<hbm>> -> memref<1000000x128xf32, #tpu.memory_space<hbm>>
      tpu.wait_indirect_dma semaphore(%arg9 : memref<!tpu.dma_semaphore, #tpu.memory_space<semaphore_mem>>) src(%dma_wait3A_104 : memref<1000000x128xf32, #tpu.memory_space<hbm>>) dst(%dma_wait3A_100 : memref<96x128xf32, #tpu.memory_space<vmem>>)
      %parallel_loop3A = arith.constant 0 : i32
      %parallel_loop3A_105 = arith.constant 200 : i32
      %parallel_loop3A_106 = arith.constant 1 : i32
      scf.for %parallel_loop3A_124 = %parallel_loop3A to %parallel_loop3A_105 step %parallel_loop3A_106  : i32 {
        %parallel_loop3A_125 = arith.index_cast %rem3A_66 : i32 to index
        %parallel_loop3A_126 = arith.index_cast %parallel_loop3A_124 : i32 to index
        %parallel_loop3A_127 = arith.constant 0 : index
        %parallel_loop3A_128 = tpu.vector_load %arg7[%parallel_loop3A_125, %parallel_loop3A_126, %parallel_loop3A_127] {strides = array<i32>} : memref<3x200x128xf32, #tpu.memory_space<vmem>>, vector<1x1x16xf32>,
        %parallel_loop3A_129 = vector.shape_cast %parallel_loop3A_128 : vector<1x1x16xf32> to vector<16xf32>
        %parallel_loop3A_130 = arith.constant 8.000000e+00 : f32
        %parallel_loop3A_131 = vector.broadcast %parallel_loop3A_130 : f32 to vector<16xf32>
        %parallel_loop3A_132 = arith.mulf %parallel_loop3A_129, %parallel_loop3A_131 : vector<16xf32>
        %parallel_loop3A_133 = arith.index_cast %parallel_loop3A_124 : i32 to index
        %parallel_loop3A_134 = arith.constant 0 : index
        %parallel_loop3A_135 = tpu.vector_load %arg8[%parallel_loop3A_133, %parallel_loop3A_134] {strides = array<i32>} : memref<200x128xf32, #tpu.memory_space<vmem>>, vector<1x16xf32>,
        %parallel_loop3A_136 = vector.shape_cast %parallel_loop3A_135 : vector<1x16xf32> to vector<16xf32>
        %parallel_loop3A_137 = arith.addf %parallel_loop3A_132, %parallel_loop3A_136 : vector<16xf32>
        %parallel_loop3A_138 = arith.index_cast %rem3A_66 : i32 to index
        %parallel_loop3A_139 = arith.index_cast %parallel_loop3A_124 : i32 to index
        %parallel_loop3A_140 = arith.constant 0 : index
        %parallel_loop3A_141 = tpu.vector_load %arg7[%parallel_loop3A_138, %parallel_loop3A_139, %parallel_loop3A_140] {strides = array<i32>} : memref<3x200x128xf32, #tpu.memory_space<vmem>>, vector<1x1x16xf32>,
        %parallel_loop3A_142 = vector.shape_cast %parallel_loop3A_141 : vector<1x1x16xf32> to vector<16xf32>
        %parallel_loop3A_143 = vector.shape_cast %parallel_loop3A_137 : vector<16xf32> to vector<1x1x16xf32>
        tpu.vector_store %arg7[%parallel_loop3A_138, %parallel_loop3A_139, %parallel_loop3A_140], %parallel_loop3A_143 {strides = array<i32>} : memref<3x200x128xf32, #tpu.memory_space<vmem>>, vector<1x1x16xf32>,
        %parallel_loop3A_144 = arith.index_cast %rem3A_66 : i32 to index
        %parallel_loop3A_145 = arith.index_cast %parallel_loop3A_124 : i32 to index
        %parallel_loop3A_146 = arith.constant 16 : index
        %parallel_loop3A_147 = tpu.vector_load %arg7[%parallel_loop3A_144, %parallel_loop3A_145, %parallel_loop3A_146] {strides = array<i32>} : memref<3x200x128xf32, #tpu.memory_space<vmem>>, vector<1x1x16xf32>,
        %parallel_loop3A_148 = vector.shape_cast %parallel_loop3A_147 : vector<1x1x16xf32> to vector<16xf32>
        %parallel_loop3A_149 = arith.constant 8.000000e+00 : f32
        %parallel_loop3A_150 = vector.broadcast %parallel_loop3A_149 : f32 to vector<16xf32>
        %parallel_loop3A_151 = arith.mulf %parallel_loop3A_148, %parallel_loop3A_150 : vector<16xf32>
        %parallel_loop3A_152 = arith.index_cast %parallel_loop3A_124 : i32 to index
        %parallel_loop3A_153 = arith.constant 16 : index
        %parallel_loop3A_154 = tpu.vector_load %arg8[%parallel_loop3A_152, %parallel_loop3A_153] {strides = array<i32>} : memref<200x128xf32, #tpu.memory_space<vmem>>, vector<1x16xf32>,
        %parallel_loop3A_155 = vector.shape_cast %parallel_loop3A_154 : vector<1x16xf32> to vector<16xf32>
        %parallel_loop3A_156 = arith.addf %parallel_loop3A_151, %parallel_loop3A_155 : vector<16xf32>
        %parallel_loop3A_157 = arith.index_cast %rem3A_66 : i32 to index
        %parallel_loop3A_158 = arith.index_cast %parallel_loop3A_124 : i32 to index
        %parallel_loop3A_159 = arith.constant 16 : index
        %parallel_loop3A_160 = tpu.vector_load %arg7[%parallel_loop3A_157, %parallel_loop3A_158, %parallel_loop3A_159] {strides = array<i32>} : memref<3x200x128xf32, #tpu.memory_space<vmem>>, vector<1x1x16xf32>,
        %parallel_loop3A_161 = vector.shape_cast %parallel_loop3A_160 : vector<1x1x16xf32> to vector<16xf32>
        %parallel_loop3A_162 = vector.shape_cast %parallel_loop3A_156 : vector<16xf32> to vector<1x1x16xf32>
        tpu.vector_store %arg7[%parallel_loop3A_157, %parallel_loop3A_158, %parallel_loop3A_159], %parallel_loop3A_162 {strides = array<i32>} : memref<3x200x128xf32, #tpu.memory_space<vmem>>, vector<1x1x16xf32>,
        %parallel_loop3A_163 = arith.index_cast %rem3A_66 : i32 to index
        %parallel_loop3A_164 = arith.index_cast %parallel_loop3A_124 : i32 to index
        %parallel_loop3A_165 = arith.constant 32 : index
        %parallel_loop3A_166 = tpu.vector_load %arg7[%parallel_loop3A_163, %parallel_loop3A_164, %parallel_loop3A_165] {strides = array<i32>} : memref<3x200x128xf32, #tpu.memory_space<vmem>>, vector<1x1x16xf32>,
        %parallel_loop3A_167 = vector.shape_cast %parallel_loop3A_166 : vector<1x1x16xf32> to vector<16xf32>
        %parallel_loop3A_168 = arith.constant 8.000000e+00 : f32
        %parallel_loop3A_169 = vector.broadcast %parallel_loop3A_168 : f32 to vector<16xf32>
        %parallel_loop3A_170 = arith.mulf %parallel_loop3A_167, %parallel_loop3A_169 : vector<16xf32>
        %parallel_loop3A_171 = arith.index_cast %parallel_loop3A_124 : i32 to index
        %parallel_loop3A_172 = arith.constant 32 : index
        %parallel_loop3A_173 = tpu.vector_load %arg8[%parallel_loop3A_171, %parallel_loop3A_172] {strides = array<i32>} : memref<200x128xf32, #tpu.memory_space<vmem>>, vector<1x16xf32>,
        %parallel_loop3A_174 = vector.shape_cast %parallel_loop3A_173 : vector<1x16xf32> to vector<16xf32>
        %parallel_loop3A_175 = arith.addf %parallel_loop3A_170, %parallel_loop3A_174 : vector<16xf32>
        %parallel_loop3A_176 = arith.index_cast %rem3A_66 : i32 to index
        %parallel_loop3A_177 = arith.index_cast %parallel_loop3A_124 : i32 to index
        %parallel_loop3A_178 = arith.constant 32 : index
        %parallel_loop3A_179 = tpu.vector_load %arg7[%parallel_loop3A_176, %parallel_loop3A_177, %parallel_loop3A_178] {strides = array<i32>} : memref<3x200x128xf32, #tpu.memory_space<vmem>>, vector<1x1x16xf32>,
        %parallel_loop3A_180 = vector.shape_cast %parallel_loop3A_179 : vector<1x1x16xf32> to vector<16xf32>
        %parallel_loop3A_181 = vector.shape_cast %parallel_loop3A_175 : vector<16xf32> to vector<1x1x16xf32>
        tpu.vector_store %arg7[%parallel_loop3A_176, %parallel_loop3A_177, %parallel_loop3A_178], %parallel_loop3A_181 {strides = array<i32>} : memref<3x200x128xf32, #tpu.memory_space<vmem>>, vector<1x1x16xf32>,
        %parallel_loop3A_182 = arith.index_cast %rem3A_66 : i32 to index
        %parallel_loop3A_183 = arith.index_cast %parallel_loop3A_124 : i32 to index
        %parallel_loop3A_184 = arith.constant 48 : index
        %parallel_loop3A_185 = tpu.vector_load %arg7[%parallel_loop3A_182, %parallel_loop3A_183, %parallel_loop3A_184] {strides = array<i32>} : memref<3x200x128xf32, #tpu.memory_space<vmem>>, vector<1x1x16xf32>,
        %parallel_loop3A_186 = vector.shape_cast %parallel_loop3A_185 : vector<1x1x16xf32> to vector<16xf32>
        %parallel_loop3A_187 = arith.constant 8.000000e+00 : f32
        %parallel_loop3A_188 = vector.broadcast %parallel_loop3A_187 : f32 to vector<16xf32>
        %parallel_loop3A_189 = arith.mulf %parallel_loop3A_186, %parallel_loop3A_188 : vector<16xf32>
        %parallel_loop3A_190 = arith.index_cast %parallel_loop3A_124 : i32 to index
        %parallel_loop3A_191 = arith.constant 48 : index
        %parallel_loop3A_192 = tpu.vector_load %arg8[%parallel_loop3A_190, %parallel_loop3A_191] {strides = array<i32>} : memref<200x128xf32, #tpu.memory_space<vmem>>, vector<1x16xf32>,
        %parallel_loop3A_193 = vector.shape_cast %parallel_loop3A_192 : vector<1x16xf32> to vector<16xf32>
        %parallel_loop3A_194 = arith.addf %parallel_loop3A_189, %parallel_loop3A_193 : vector<16xf32>
        %parallel_loop3A_195 = arith.index_cast %rem3A_66 : i32 to index
        %parallel_loop3A_196 = arith.index_cast %parallel_loop3A_124 : i32 to index
        %parallel_loop3A_197 = arith.constant 48 : index
        %parallel_loop3A_198 = tpu.vector_load %arg7[%parallel_loop3A_195, %parallel_loop3A_196, %parallel_loop3A_197] {strides = array<i32>} : memref<3x200x128xf32, #tpu.memory_space<vmem>>, vector<1x1x16xf32>,
        %parallel_loop3A_199 = vector.shape_cast %parallel_loop3A_198 : vector<1x1x16xf32> to vector<16xf32>
        %parallel_loop3A_200 = vector.shape_cast %parallel_loop3A_194 : vector<16xf32> to vector<1x1x16xf32>
        tpu.vector_store %arg7[%parallel_loop3A_195, %parallel_loop3A_196, %parallel_loop3A_197], %parallel_loop3A_200 {strides = array<i32>} : memref<3x200x128xf32, #tpu.memory_space<vmem>>, vector<1x1x16xf32>,
      } {sc.loop_unroll_factor = 8 : i64, sc.parallel_access}
      %add3A_107 = arith.addi %multiple_of3A, %scan3A_65 : i32
      %dma_start3A_108 = arith.constant 0 : i32
      %dma_start3A_109 = arith.constant 0 : i32
      %dma_start3A_110 = tpu.memref_slice %arg7[%rem3A_66, %dma_start3A_108, %dma_start3A_109] : memref<3x200x128xf32, #tpu.memory_space<vmem>> -> memref<1x200x128xf32, #tpu.memory_space<vmem>>
      %dma_start3A_111 = tpu.memref_squeeze %dma_start3A_110 : memref<1x200x128xf32, #tpu.memory_space<vmem>> -> memref<200x128xf32, #tpu.memory_space<vmem>>
      %dma_start3A_112 = arith.constant 0 : i32
      %dma_start3A_113 = arith.constant 0 : i32
      %dma_start3A_114 = tpu.memref_slice %arg5[%add3A_107, %dma_start3A_112, %dma_start3A_113] : memref<4096x200x128xf32, #tpu.memory_space<hbm>> -> memref<1x200x128xf32, #tpu.memory_space<hbm>>
      %dma_start3A_115 = tpu.memref_squeeze %dma_start3A_114 : memref<1x200x128xf32, #tpu.memory_space<hbm>> -> memref<200x128xf32, #tpu.memory_space<hbm>>
      %dma_start3A_116 = arith.constant 0 : i32
      %dma_start3A_117 = arith.constant 0 : i32
      %dma_start3A_118 = tpu.memref_slice %arg5[%add3A_107, %dma_start3A_116, %dma_start3A_117] : memref<4096x200x128xf32, #tpu.memory_space<hbm>> -> memref<1x200x128xf32, #tpu.memory_space<hbm>>
      %dma_start3A_119 = tpu.memref_squeeze %dma_start3A_118 : memref<1x200x128xf32, #tpu.memory_space<hbm>> -> memref<200x128xf32, #tpu.memory_space<hbm>>
      %dma_start3A_120 = arith.constant 0 : i32
      %dma_start3A_121 = arith.constant 0 : i32
      %dma_start3A_122 = tpu.memref_slice %arg7[%rem3A_66, %dma_start3A_120, %dma_start3A_121] : memref<3x200x128xf32, #tpu.memory_space<vmem>> -> memref<1x200x128xf32, #tpu.memory_space<vmem>>
      %dma_start3A_123 = tpu.memref_squeeze %dma_start3A_122 : memref<1x200x128xf32, #tpu.memory_space<vmem>> -> memref<200x128xf32, #tpu.memory_space<vmem>>
      tpu.enqueue_dma source(%dma_start3A_123 : memref<200x128xf32, #tpu.memory_space<vmem>>) target(%dma_start3A_119 : memref<200x128xf32, #tpu.memory_space<hbm>>) target_semaphore(%arg10 : memref<!tpu.dma_semaphore, #tpu.memory_space<semaphore_mem>>)
    }
    %scan3A_31 = arith.constant 128 : i32
    %dma_wait3A = arith.constant 0 : i32
    %dma_wait3A_32 = arith.constant 0 : i32
    %dma_wait3A_33 = arith.constant 0 : i32
    %dma_wait3A_34 = tpu.memref_slice %arg7[%dma_wait3A, %dma_wait3A_32, %dma_wait3A_33] : memref<3x200x128xf32, #tpu.memory_space<vmem>> -> memref<1x200x128xf32, #tpu.memory_space<vmem>>
    %dma_wait3A_35 = tpu.memref_squeeze %dma_wait3A_34 : memref<1x200x128xf32, #tpu.memory_space<vmem>> -> memref<200x128xf32, #tpu.memory_space<vmem>>
    %dma_wait3A_36 = arith.constant 0 : i32
    %dma_wait3A_37 = arith.constant 0 : i32
    %dma_wait3A_38 = tpu.memref_slice %arg5[%multiple_of3A, %dma_wait3A_36, %dma_wait3A_37] : memref<4096x200x128xf32, #tpu.memory_space<hbm>> -> memref<1x200x128xf32, #tpu.memory_space<hbm>>
    %dma_wait3A_39 = tpu.memref_squeeze %dma_wait3A_38 : memref<1x200x128xf32, #tpu.memory_space<hbm>> -> memref<200x128xf32, #tpu.memory_space<hbm>>
    %dma_wait3A_40 = arith.constant 0 : i32
    %dma_wait3A_41 = arith.constant 0 : i32
    %dma_wait3A_42 = tpu.memref_slice %arg5[%multiple_of3A, %dma_wait3A_40, %dma_wait3A_41] : memref<4096x200x128xf32, #tpu.memory_space<hbm>> -> memref<1x200x128xf32, #tpu.memory_space<hbm>>
    %dma_wait3A_43 = tpu.memref_squeeze %dma_wait3A_42 : memref<1x200x128xf32, #tpu.memory_space<hbm>> -> memref<200x128xf32, #tpu.memory_space<hbm>>
    %dma_wait3A_44 = arith.constant 0 : i32
    %dma_wait3A_45 = arith.constant 0 : i32
    %dma_wait3A_46 = tpu.memref_slice %arg7[%dma_wait3A, %dma_wait3A_44, %dma_wait3A_45] : memref<3x200x128xf32, #tpu.memory_space<vmem>> -> memref<1x200x128xf32, #tpu.memory_space<vmem>>
    %dma_wait3A_47 = tpu.memref_squeeze %dma_wait3A_46 : memref<1x200x128xf32, #tpu.memory_space<vmem>> -> memref<200x128xf32, #tpu.memory_space<vmem>>
    tpu.wait_dma2 semaphore(%arg10 : memref<!tpu.dma_semaphore, #tpu.memory_space<semaphore_mem>>) src(%dma_wait3A_47 : memref<200x128xf32, #tpu.memory_space<vmem>>) dst(%dma_wait3A_43 : memref<200x128xf32, #tpu.memory_space<hbm>>)
    %dma_wait3A_48 = arith.constant 0 : i32
    %dma_wait3A_49 = arith.constant 0 : i32
    %dma_wait3A_50 = arith.constant 0 : i32
    %dma_wait3A_51 = tpu.memref_slice %arg7[%dma_wait3A_48, %dma_wait3A_49, %dma_wait3A_50] : memref<3x200x128xf32, #tpu.memory_space<vmem>> -> memref<1x200x128xf32, #tpu.memory_space<vmem>>
    %dma_wait3A_52 = tpu.memref_squeeze %dma_wait3A_51 : memref<1x200x128xf32, #tpu.memory_space<vmem>> -> memref<200x128xf32, #tpu.memory_space<vmem>>
    %dma_wait3A_53 = arith.constant 0 : i32
    %dma_wait3A_54 = arith.constant 0 : i32
    %dma_wait3A_55 = tpu.memref_slice %arg5[%multiple_of3A, %dma_wait3A_53, %dma_wait3A_54] : memref<4096x200x128xf32, #tpu.memory_space<hbm>> -> memref<1x200x128xf32, #tpu.memory_space<hbm>>
    %dma_wait3A_56 = tpu.memref_squeeze %dma_wait3A_55 : memref<1x200x128xf32, #tpu.memory_space<hbm>> -> memref<200x128xf32, #tpu.memory_space<hbm>>
    %dma_wait3A_57 = arith.constant 0 : i32
    %dma_wait3A_58 = arith.constant 0 : i32
    %dma_wait3A_59 = tpu.memref_slice %arg5[%multiple_of3A, %dma_wait3A_57, %dma_wait3A_58] : memref<4096x200x128xf32, #tpu.memory_space<hbm>> -> memref<1x200x128xf32, #tpu.memory_space<hbm>>
    %dma_wait3A_60 = tpu.memref_squeeze %dma_wait3A_59 : memref<1x200x128xf32, #tpu.memory_space<hbm>> -> memref<200x128xf32, #tpu.memory_space<hbm>>
    %dma_wait3A_61 = arith.constant 0 : i32
    %dma_wait3A_62 = arith.constant 0 : i32
    %dma_wait3A_63 = tpu.memref_slice %arg7[%dma_wait3A_48, %dma_wait3A_61, %dma_wait3A_62] : memref<3x200x128xf32, #tpu.memory_space<vmem>> -> memref<1x200x128xf32, #tpu.memory_space<vmem>>
    %dma_wait3A_64 = tpu.memref_squeeze %dma_wait3A_63 : memref<1x200x128xf32, #tpu.memory_space<vmem>> -> memref<200x128xf32, #tpu.memory_space<vmem>>
    tpu.wait_dma2 semaphore(%arg10 : memref<!tpu.dma_semaphore, #tpu.memory_space<semaphore_mem>>) src(%dma_wait3A_64 : memref<200x128xf32, #tpu.memory_space<vmem>>) dst(%dma_wait3A_60 : memref<200x128xf32, #tpu.memory_space<hbm>>)
    return
  }
}

</mosaic_0001>

<sc_bundles>
// kernel: kernel.3.cloned.1.call-start
scs
__scs_entry_jumppad:
0x0: {  	(pc) =	sbr.rel $0x88, $3  }
0x1: {  	(tag) =	ssettag $0x0;
	lr =	simm.s32 $0x1  }
0x2: {  	[smem:$0x3F9E] =	sst lr;
	_ =	strace $0xD0000000  }
0x3: {  	_ = 	snop  }
0x4: {  	_ = 	snop  }
0x5: {  	_ = 	snop  }
0x6: {  	_ = 	snop  }
0x7: {  	_ = 	snop  }
__scs_overlays_trampoline_lowered:
0x8: {  	[smem:$0x3FAD] =	sst s0  }
0x9: {  	[smem:$0x3FAE] =	sst s1  }
0xa: {  	[smem:$0x3FAF] =	sst s2  }
0xb: {  	[smem:$0x3FB0] =	sst s3  }
0xc: {  	[smem:$0x3FB1] =	sst s4  }
0xd: {  	[smem:$0x3FB2] =	sst s5  }
0xe: {  	[smem:$0x3FB3] =	sst s6  }
0xf: {  	[smem:$0x3FB4] =	sst s7  }
0x10: {  	[smem:$0x3FB5] =	sst s8  }
0x11: {  	[smem:$0x3FB6] =	sst s9;
	s0 =	simm.s32 @!p0 $0x0  }
0x12: {  	s1 =	sld [smem:$0x3F9C];
	s0 =	simm.s32 @p0 $0x1  }
0x13: {  	[smem:$0x3FB7] =	sst s0;
	s0 =	simm.s32 @!p1 $0x0  }
0x14: {  	s2 =	sld [smem:$0x3F9B];
	s0 =	simm.s32 @p1 $0x1  }
0x15: {  	[smem:$0x3FB8] =	sst s0;
	s0 =	simm.s32 @!p2 $0x0  }
0x16: {  	s3 =	sld [smem:$0x3FDB];
	s0 =	simm.s32 @p2 $0x1  }
0x17: {  	s4 =	simm.s32 $0x1BF5;
	[smem:$0x3FBA] =	sst s0  }
0x18: {  	s0 =	sld [smem:$0x3F9D];
	_ =	swait.ge [sflag:s4], $0x0  }
0x19: {  	s7 =	sld [smem:$0x3F9E]  }
0x1a: {  	s8 =	sadd.s32 $0xFFFFE003, lr  }
0x1b: {  	s9 =	sadd.s32 $0xFFFFFEF7, lr;
	s5 =	simm.s32 $0xFFFFFFFF;
	p2 =	slt.u32 s8, $0xFFFFF086  }
0x1c: {  	p1 =	slt.u32 s9, $0xF7A;
	s5 =	simm.s32 @!p2 $0x0  }
0x1d: {  	s5 =	simm.s32 @p1 $0x1;
	p0 =	seq.s32 s7, s2  }
0x1e: {  	s7 =	smul.u32 @!p0 $0xF7A, s2;
	p2 =	seq.s32 @!p0 s5, $0x0  }
0x1f: {  	s9 =	smul.u32 $0xF7A, s1;
	s8 =	simm.s32 @!p0 $0x1BF5;
	p2 =	por !p2, p0  }
0x20: {  	[sflag:s8] =	ssyncset.s32 @!p0 $0xFFFFF086;
	s6 =	sadd.s32 @!p0 s3, s7;
	s7 =	simm.s32 @!p0 $0x108  }
0x21: {  	s3 =	sadd.s32 s3, s9;
	s6 =	sadd.s32 @!p0 $0x88, s6;
	s7 =	simm.s32 @p2 $0x1082  }
0x22: {  	[simem:s7], [sflag:s8] =	dma.local @!p0 [hbm:s6], $0xF7A  }
0x23: {  	s9 =	sor.u32 $0xD0000000, s2;
	s6 =	simm.s32 $0x108;
	_ =	swait.ge @!p0 [sflag:s8], $0x0  }
0x24: {  	s3 =	sadd.s32 $0x88, s3;
	s6 =	simm.s32 @!p1 $0x1082;
	[sflag:s4] =	ssyncset.s32 $0xFFFFF086  }
0x25: {  	[simem:s6], [sflag:s4] =	dma.local [hbm:s3], $0xF7A  }
0x26: {  	[smem:$0x3F9E] =	sst s1;
	(tag) =	ssettag s2;
	_ =	strace s9  }
0x27: {  	s1 =	sld [smem:$0x3FAE]  }
0x28: {  	s2 =	sld [smem:$0x3FAF]  }
0x29: {  	s4 =	sld [smem:$0x3FB1]  }
0x2a: {  	p0 =	seq.s32 s5, $0x0;
	s5 =	sld [smem:$0x3FB2]  }
0x2b: {  	s6 =	sld [smem:$0x3FB3]  }
0x2c: {  	s7 =	sld [smem:$0x3FB4]  }
0x2d: {  	s3 =	simm.s32 $0x108;
	s8 =	sld [smem:$0x3FB5]  }
0x2e: {  	s3 =	simm.s32 @!p0 $0x1082;
	s9 =	sld [smem:$0x3FB6]  }
0x2f: {  	lr =	sadd.s32 s0, s3;
	s0 =	sld [smem:$0x3FAD]  }
0x30: {  	s3 =	sld [smem:$0x3FB0]  }
0x31: {  	[smem:$0x3FB9] =	sst s10  }
0x32: {  	s10 =	sld [smem:$0x3FB7];
	_ =	sdelay $0x3  }
0x33: {  	p0 =	seq.s32 s10, $0x1;
	s10 =	sld [smem:$0x3FB9];
	_ =	sdelay $0x3  }
0x34: {  	[smem:$0x3FB9] =	sst s10  }
0x35: {  	s10 =	sld [smem:$0x3FB8];
	_ =	sdelay $0x3  }
0x36: {  	p1 =	seq.s32 s10, $0x1;
	s10 =	sld [smem:$0x3FB9];
	_ =	sdelay $0x3  }
0x37: {  	[smem:$0x3FB9] =	sst s10  }
0x38: {  	s10 =	sld [smem:$0x3FBA]  }
0x39: {  	_ = 	snop;
	(pc) =	sbr.ind lr, $3  }
0x3a: {  	_ = 	snop  }
0x3b: {  	_ = 	snop  }
0x3c: {  	p2 =	seq.s32 s10, $0x1;
	s10 =	sld [smem:$0x3FB9]  }
0x3d: {  	_ =	shalt  }
0x3e: {  	_ =	shalt  }
0x3f: {  	_ =	shalt  }
0x40: {  	_ =	shalt  }
0x41: {  	_ =	shalt  }
0x42: {  	_ =	shalt  }
0x43: {  	_ =	shalt  }
0x44: {  	_ =	shalt  }
0x45: {  	_ =	shalt  }
0x46: {  	_ =	shalt  }
0x47: {  	_ =	shalt  }
0x48: {  	_ =	shalt  }
0x49: {  	_ =	shalt  }
0x4a: {  	_ =	shalt  }
0x4b: {  	_ =	shalt  }
0x4c: {  	_ =	shalt  }
0x4d: {  	_ =	shalt  }
0x4e: {  	_ =	shalt  }
0x4f: {  	_ =	shalt  }
0x50: {  	_ =	shalt  }
0x51: {  	_ =	shalt  }
0x52: {  	_ =	shalt  }
0x53: {  	_ =	shalt  }
0x54: {  	_ =	shalt  }
0x55: {  	_ =	shalt  }
0x56: {  	_ =	shalt  }
0x57: {  	_ =	shalt  }
0x58: {  	_ =	shalt  }
0x59: {  	_ =	shalt  }
0x5a: {  	_ =	shalt  }
0x5b: {  	_ =	shalt  }
0x5c: {  	_ =	shalt  }
0x5d: {  	_ =	shalt  }
0x5e: {  	_ =	shalt  }
0x5f: {  	_ =	shalt  }
0x60: {  	_ =	shalt  }
0x61: {  	_ =	shalt  }
0x62: {  	_ =	shalt  }
0x63: {  	_ =	shalt  }
0x64: {  	_ =	shalt  }
0x65: {  	_ =	shalt  }
0x66: {  	_ =	shalt  }
0x67: {  	_ =	shalt  }
0x68: {  	_ =	shalt  }
0x69: {  	_ =	shalt  }
0x6a: {  	_ =	shalt  }
0x6b: {  	_ =	shalt  }
0x6c: {  	_ =	shalt  }
0x6d: {  	_ =	shalt  }
0x6e: {  	_ =	shalt  }
0x6f: {  	_ =	shalt  }
0x70: {  	_ =	shalt  }
0x71: {  	_ =	shalt  }
0x72: {  	_ =	shalt  }
0x73: {  	_ =	shalt  }
0x74: {  	_ =	shalt  }
0x75: {  	_ =	shalt  }
0x76: {  	_ =	shalt  }
0x77: {  	_ =	shalt  }
0x78: {  	_ =	shalt  }
0x79: {  	_ =	shalt  }
0x7a: {  	_ =	shalt  }
0x7b: {  	_ =	shalt  }
0x7c: {  	_ =	shalt  }
0x7d: {  	_ =	shalt  }
0x7e: {  	_ =	shalt  }
0x7f: {  	_ =	shalt  }
0x80: {  	_ =	shalt  }
0x81: {  	_ =	shalt  }
0x82: {  	_ =	shalt  }
0x83: {  	_ =	shalt  }
0x84: {  	_ =	shalt  }
0x85: {  	_ =	shalt  }
0x86: {  	_ =	shalt  }
0x87: {  	_ =	shalt  }
.Lfunc_end0:
.L_simem_size_0:
called_computation.1_lowered:
.L_overlay_start_0:
0x88: {  	s2 =	sld [smem:$0x3FD9]  }
0x89: {  	s3 =	sld [smem:$0x3FFE];
	_ =	sdelay $0x1  }
0x8a: {  	s1 =	srdreg.scid  }
0x8b: {  	s0 =	sand.u32 $0x1, s1  }
0x8c: {  	s17 =	sshll.u32 s0, $0xA;
	s2 =	sadd.s32 s3, s2  }
0x8d: {  	s2 =	sadd.s32 s2, s17  }
0x8e: {  	[smem:$0x3FC5] =	sst s2  }
0x8f: {  	_ = 	snop  }
0x90: {  	s2 =	sld [smem:$0x3FD0];
	(tm) =	ssettm $0x1  }
0x91: {  	s18 =	sld [smem:$0x3FFB];
	_ =	sdelay $0x3  }
0x92: {  	_ =	strace s18  }
0x93: {  	s3 =	sld [smem:$0x3FFC];
	_ =	sdelay $0x3  }
0x94: {  	_ =	strace s3  }
0x95: {  	s3 =	sld [smem:$0x3FFD];
	_ =	sdelay $0x3  }
0x96: {  	_ =	strace s3  }
0x97: {  	_ =	strace $0x8FFFFFFF  }
0x98: {  	s19 =	sld [smem:$0x3FDB];
	_ =	sdelay $0x1  }
0x99: {  	s4 =	simm.s32 $_scs_section_size  }
0x9a: {  	s5 =	simm.s32 $_size__tile_overlayer_lowered;
	s6 =	simm.s32 $_tile_overlayer_lowered  }
0x9b: {  	s22 =	simm.s32 $0x1BFF;
	s21 =	sshll.u32 s6, $0x1;
	s3 =	sadd.s32 s4, s19  }
0x9c: {  	s7 =	simm.s32 $0x0;
	s20 =	sshll.u32 s5, $0x1;
	s5 =	sadd.s32 s21, s3  }
0x9d: {  	[timem:s7], [sflag:s22] =	dma.local [hbm:s5], s20  }
0x9e: {  	_ =	swait.ge [sflag:s22], s20  }
0x9f: {  	s4 =	ssub.s32 $0x0, s20;
	[sflag:s22] =	ssyncset.done $0x0  }
0xa0: {  	[sflag:s22] =	ssyncadd.s32 s4;
	_ =	sdelay $0x1  }
0xa1: {  	s23 =	simm.s32 $0x1B8B  }
0xa2: {  	_ =	swait.ge [sflag:s23], $0x1  }
0xa3: {  	[sflag:s23] =	ssyncset.done $0x0  }
0xa4: {  	s25 =	simm.s32 $0x1B8E;
	s24 =	sld [smem:$0x3FFE];
	[sflag:s23] =	ssyncadd.s32 $0xFFFFFFFF  }
0xa5: {  	s26 =	simm.s32 $execute0_lowered;
	[smem:$0x3FD2] =	sst s25  }
0xa6: {  	s5 =	sshll.u32 s26, $0x1;
	_ =	strace $0x80000046;
	[dreg:$0x1] =	wrdreg $0xFFFFFFFF  }
0xa7: {  	s28 =	simm.s32 $_size_execute0_lowered;
	s3 =	sadd.s32 s3, s5;
	[dreg:$0x0] =	wrdreg $0x0  }
0xa8: {  	s5 =	sshll.u32 s28, $0x1;
	[dreg:$0x2] =	wrdreg s3  }
0xa9: {  	[dreg:$0x3] =	wrdreg s5  }
0xaa: {  	[dreg:$0x4] =	wrdreg $0xC0  }
0xab: {  	_ =	task [dreg:s7], $0x5FFFF  }
0xac: {  	[dreg:$0x1] =	wrdreg $0xFFFFFFFF  }
0xad: {  	[dreg:$0x0] =	wrdreg $0x60  }
0xae: {  	[dreg:$0x2] =	wrdreg s2  }
0xaf: {  	[dreg:$0x3] =	wrdreg s24  }
0xb0: {  	[dreg:$0x4] =	wrdreg $0x9  }
0xb1: {  	_ =	task.clear_ibuf [dreg:s7], $0x5FFFF;
	_ =	strace $0x90000046  }
0xb2: {  	s29 =	simm.s32 $0x9;
	_ =	strace $0x80000048  }
0xb3: {  	_ =	swait.ge [sflag:s29], $0x1  }
0xb4: {  	[sflag:s29] =	ssyncadd.s32 $0xFFFFFFFF  }
0xb5: {  	_ =	strace $0x90000048  }
0xb6: {  	_ =	sfence  }
0xb7: {  	s30 =	sld [smem:$0x0];
	_ =	sdelay $0x2  }
0xb8: {  	s31 =	sshll.u32 s1, $0xD;
	s1 =	sshrl.u32 s1, $0x2  }
0xb9: {  	s3 =	sand.u32 $0x4000, s31;
	s1 =	sadd.s32 s1, s30  }
0xba: {  	s0 =	sor.u32 s3, s0;
	s1 =	sshll.u32 s1, $0x11  }
0xbb: {  	s0 =	sor.u32 s1, s0  }
0xbc: {  	s0 =	sadd.s32 $0x8F2B, s0  }
0xbd: {  	[sflag:s0] =	ssyncadd.remote.s32 $0x1  }
0xbe: {  	_ =	sfence.sel $0xFFFF  }
0xbf: {  	[dreg:$0x0] =	wrdreg $0xFFFFFFFF;
	(pc) =	sbr.abs _section_cstart, $3  }
0xc0: {  	[dreg:$0x1] =	wrdreg $0xFFFFFFFF  }
0xc1: {  	_ =	task.clear_ibuf [dreg:s7], $0x2FFFF;
	_ =	strace $0x9FFFFFFF  }
0xc2: {  	(tm) =	ssettm $0x7FFFFFFF  }
0xc3: {  	_ =	shalt  }
tec
execute0_lowered:
.L_overlay_start_1:
0x0: {  	(tag) =	ssettag $0x1  }
0x1: {  	s7 =	rddreg [dreg:$0x0]  }
0x2: {  	s5 =	rddreg [dreg:$0x1]  }
0x3: {  	s0 =	rddreg [dreg:$0x2];
	s2 =	simm.s32 $0x0;
	s3 =	srdreg.scid  }
0x4: {  	s1 =	stileid.u32;
	s11 =	simm.s32 $0x68;
	s12 =	simm.s32 $0x60  }
0x5: {  	s13 =	simm.s32 $0x9800;
	s14 =	simm.s32 $0x1;
	s15 =	simm.s32 $0x2  }
0x6: {  	s16 =	simm.s32 $0x0;
	[smem:$0x7FF] =	sst s2;
	s4 =	sand.u32 $0x1, s3  }
0x7: {  	s31 =	sshll.u32 s1, $0x1;
	s3 =	sadd.s32 $0xF43E00, s5;
	_ =	strace $0x80000047  }
0x8: {  	s6 =	sor.u32 s4, s31;
	s8 =	ssub.s32 $0x2, s4;
	s4 =	sadd.s32 $0xF43000, s5  }
0x9: {  	s5 =	sadd.s32 $0xC00, s5;
	s9 =	smul.u32 $0xC80, s6;
	s10 =	sshrl.u32 s8, $0x1  }
0xa: {  	s6 =	sshll.u32 s6, $0x7;
	s8 =	ssub.s32 s8, s10;
	s10 =	simm.s32 $0x3  }
0xb: {  	s7 =	sadd.s32 s7, s9;
	s8 =	smax.u32 s8, $0x1;
	s9 =	simm.s32 $0x19000  }
.LBB2_1:
0xc: {  	[tilespmem:s9], [sflag:$0x3] =	stream.linear.gather [hbm4b:s4+s2], $0x6400, $0x38;
	[tilespmem:$0x1F400] =	vst v63  }
0xd: {  	_ =	swait.ge [sflag:s10], $0x6400  }
0xe: {  	[sflag:s10] =	ssyncset.done $0x0  }
0xf: {  	[sflag:s10] =	ssyncadd.s32 $0xFFFF9C00  }
0x10: {  	[tilespmem:s2], [sflag:$0x3] =	stream.linear.gather [hbm4b:s7+s2], $0x6400, $0x38;
	[tilespmem:$0x1F400] =	vst v63  }
0x11: {  	_ =	swait.ge [sflag:s10], $0x6400  }
0x12: {  	[sflag:s10] =	ssyncset.done $0x0  }
0x13: {  	s17 =	simm.s32 $0x6400;
	[sflag:s10] =	ssyncadd.s32 $0xFFFF9C00  }
0x14: {  	[tilespmem:s17], [sflag:$0x1] =	stream.indirect.gather [hbm4b:s3+s11], $0x80, s2, s11, $0xb8;
	[tilespmem:$0x1F400] =	vst v63  }
0x15: {  	s18 =	simm.s32 $0x0  }
0x16: {  	[tilespmem:s13], [sflag:$0x1] =	stream.indirect.gather [hbm4b:s3+s12], $0x80, s11, s12, $0xb8;
	[tilespmem:$0x1F400] =	vst v63  }
.LBB2_2:
0x17: {  	p0 =	slt.u32 s18, $0x2  }
0x18: {  	s20 =	simm.s32 @!p0 $0x2  }
0x19: {  	s21 =	smul.u32 $0xAB, s18;
	p1 =	seq.s32 @!p0 s18, $0x7F;
	_ =	swait.ge @!p0 [sflag:s20], $0x6400  }
0x1a: {  	p1 =	por p0, !p1;
	[sflag:s20] =	ssyncset.done @!p0 $0x0  }
0x1b: {  	[sflag:s20] =	ssyncadd.s32 @!p0 $0xFFFF9C00;
	s20 =	sadd.s32 @p1 $0xAB, s21  }
0x1c: {  	s20 =	sshrl.u32 @p1 s20, $0x9  }
0x1d: {  	s20 =	sand.u32 @p1 $0x7F, s20  }
0x1e: {  	s20 =	smul.u32 @p1 $0x3, s20  }
0x1f: {  	s19 =	sadd.s32 $0x1, s18  }
0x20: {  	s20 =	ssub.s32 @p1 s19, s20  }
0x21: {  	s20 =	sand.u32 @p1 $0xFF, s20  }
0x22: {  	s20 =	smul.u32 @p1 $0x19000, s20  }
0x23: {  	s22 =	smul.u32 @p1 $0x320, s19  }
0x24: {  	s20 =	sshrl.u32 @p1 s20, $0x2  }
0x25: {  	s22 =	sshra.s32 @p1 s22, $0x2;
	s23 =	sadd.s32 @p1 $0x6400, s20  }
0x26: {  	[tilespmem:s23], [sflag:$0x1] =	stream.indirect.gather @p1 [hbm4b:s3+s11], $0x80, s22, s11, $0xb8;
	[tilespmem:$0x1F400] =	vst v63  }
0x27: {  	s31 =	smulhi.u32 $0xAAAAAAAB, s18;
	s20 =	sadd.s32 @p1 $0x9800, s20;
	s22 =	sadd.s32 @p1 $0x68, s22  }
0x28: {  	[tilespmem:s20], [sflag:$0x1] =	stream.indirect.gather @p1 [hbm4b:s3+s12], $0x80, s22, s12, $0xb8;
	[tilespmem:$0x1F400] =	vst v63  }
0x29: {  	s20 =	sshrl.u32 s31, $0x1;
	_ =	swait.ge [sflag:s14], $0x3400  }
0x2a: {  	s20 =	smul.u32 $0xFFFB5000, s20;
	[sflag:s14] =	ssyncset.done $0x0  }
0x2b: {  	[sflag:s14] =	ssyncadd.s32 $0xFFFFCC00  }
0x2c: {  	s20 =	sshra.s32 s20, $0x2;
	_ =	swait.ge [sflag:s14], $0x3000  }
0x2d: {  	s20 =	sadd.s32 s20, s17;
	[sflag:s14] =	ssyncset.done $0x0  }
0x2e: {  	v0 =	vmov s20;
	s20 =	simm.s32 $0x0;
	[sflag:s14] =	ssyncadd.s32 $0xFFFFD000  }
0x2f: {  	v4 =	vld [tilespmem:s20+$0x19380]  }
0x30: {  	v10 =	vld [tilespmem:s20+$0x19080]  }
0x31: {  	v11 =	vld [tilespmem:s20+$0x19100]  }
0x32: {  	v12 =	vld [tilespmem:s20+$0x19180]  }
0x33: {  	v1 =	vld.idx.msk [tilespmem:v0+s20+$0x380 ss:$0x1], $0xffff  }
0x34: {  	v3 =	vld.idx.msk [tilespmem:v0+s20+$0x80 ss:$0x1], $0xffff  }
0x35: {  	v2 =	vld.idx.msk [tilespmem:v0+s20+$0x0 ss:$0x1], $0xffff  }
0x36: {  	v5 =	vld.idx.msk [tilespmem:v0+s20+$0x100 ss:$0x1], $0xffff  }
0x37: {  	v6 =	vld.idx.msk [tilespmem:v0+s20+$0x180 ss:$0x1], $0xffff  }
0x38: {  	v7 =	vld.idx.msk [tilespmem:v0+s20+$0x200 ss:$0x1], $0xffff;
	v1 =	vmul.f32 $8.000000000e+00, v1  }
0x39: {  	v8 =	vld.idx.msk [tilespmem:v0+s20+$0x280 ss:$0x1], $0xffff;
	v3 =	vmul.f32 $8.000000000e+00, v3  }
0x3a: {  	v1 =	vadd.f32 v4, v1;
	v4 =	vld [tilespmem:s20+$0x19000]  }
0x3b: {  	v3 =	vadd.f32 v10, v3;
	v10 =	vld [tilespmem:s20+$0x19280]  }
0x3c: {  	v9 =	vld.idx.msk [tilespmem:v0+s20+$0x300 ss:$0x1], $0xffff;
	[tilespmem:v0+s20+$0x380 ss:$0x1] =	vst.idx.msk $0xffff, v1  }
0x3d: {  	v2 =	vmul.f32 $8.000000000e+00, v2;
	v1 =	vld.idx.msk [tilespmem:v0+s20+$0x390 ss:$0x1], $0xffff  }
0x3e: {  	v8 =	vmul.f32 $8.000000000e+00, v8;
	v13 =	vld [tilespmem:s20+$0x19390]  }
0x3f: {  	v5 =	vmul.f32 $8.000000000e+00, v5;
	v6 =	vmul.f32 $8.000000000e+00, v6;
	[tilespmem:v0+s20+$0x80 ss:$0x1] =	vst.idx.msk $0xffff, v3;
	v2 =	vadd.f32 v4, v2;
	v4 =	vld [tilespmem:s20+$0x19200]  }
0x40: {  	v8 =	vadd.f32 v10, v8;
	v10 =	vld [tilespmem:s20+$0x19090]  }
0x41: {  	v6 =	vadd.f32 v12, v6;
	[tilespmem:v0+s20+$0x0 ss:$0x1] =	vst.idx.msk $0xffff, v2;
	v2 =	vadd.f32 v11, v5;
	v5 =	vld [tilespmem:s20+$0x19300]  }
0x42: {  	v11 =	vld.idx.msk [tilespmem:v0+s20+$0x90 ss:$0x1], $0xffff  }
0x43: {  	[tilespmem:v0+s20+$0x180 ss:$0x1] =	vst.idx.msk $0xffff, v6;
	v1 =	vmul.f32 $8.000000000e+00, v1;
	v3 =	vld.idx.msk [tilespmem:v0+s20+$0x10 ss:$0x1], $0xffff  }
0x44: {  	v7 =	vmul.f32 $8.000000000e+00, v7;
	v6 =	vmul.f32 $8.000000000e+00, v9;
	v9 =	vld [tilespmem:s20+$0x19010];
	[tilespmem:v0+s20+$0x100 ss:$0x1] =	vst.idx.msk $0xffff, v2  }
0x45: {  	v1 =	vadd.f32 v13, v1;
	v2 =	vld.idx.msk [tilespmem:v0+s20+$0x110 ss:$0x1], $0xffff  }
0x46: {  	v4 =	vadd.f32 v4, v7;
	v7 =	vld.idx.msk [tilespmem:v0+s20+$0x190 ss:$0x1], $0xffff  }
0x47: {  	v12 =	vld [tilespmem:s20+$0x19110];
	[tilespmem:v0+s20+$0x390 ss:$0x1] =	vst.idx.msk $0xffff, v1  }
0x48: {  	[tilespmem:v0+s20+$0x200 ss:$0x1] =	vst.idx.msk $0xffff, v4;
	v4 =	vadd.f32 v5, v6;
	v1 =	vld.idx.msk [tilespmem:v0+s20+$0x3A0 ss:$0x1], $0xffff  }
0x49: {  	[tilespmem:v0+s20+$0x280 ss:$0x1] =	vst.idx.msk $0xffff, v8;
	v13 =	vld [tilespmem:s20+$0x19190]  }
0x4a: {  	[tilespmem:v0+s20+$0x300 ss:$0x1] =	vst.idx.msk $0xffff, v4;
	v4 =	vld [tilespmem:s20+$0x193A0]  }
0x4b: {  	v6 =	vld.idx.msk [tilespmem:v0+s20+$0x290 ss:$0x1], $0xffff;
	v3 =	vmul.f32 $8.000000000e+00, v3  }
0x4c: {  	v5 =	vld.idx.msk [tilespmem:v0+s20+$0x210 ss:$0x1], $0xffff  }
0x4d: {  	v8 =	vld.idx.msk [tilespmem:v0+s20+$0x310 ss:$0x1], $0xffff;
	v3 =	vadd.f32 v9, v3;
	v1 =	vmul.f32 $8.000000000e+00, v1  }
0x4e: {  	v9 =	vld [tilespmem:s20+$0x19290]  }
0x4f: {  	v11 =	vmul.f32 $8.000000000e+00, v11;
	[tilespmem:v0+s20+$0x10 ss:$0x1] =	vst.idx.msk $0xffff, v3;
	v1 =	vadd.f32 v4, v1;
	v4 =	vld [tilespmem:s20+$0x19210]  }
0x50: {  	v2 =	vmul.f32 $8.000000000e+00, v2;
	v3 =	vmul.f32 $8.000000000e+00, v6;
	v6 =	vld.idx.msk [tilespmem:v0+s20+$0x20 ss:$0x1], $0xffff  }
0x51: {  	v7 =	vmul.f32 $8.000000000e+00, v7;
	[tilespmem:v0+s20+$0x3A0 ss:$0x1] =	vst.idx.msk $0xffff, v1;
	v1 =	vadd.f32 v10, v11;
	v10 =	vld [tilespmem:s20+$0x19310]  }
0x52: {  	v2 =	vadd.f32 v12, v2;
	v5 =	vmul.f32 $8.000000000e+00, v5;
	v11 =	vld.idx.msk [tilespmem:v0+s20+$0x3B0 ss:$0x1], $0xffff  }
0x53: {  	[tilespmem:v0+s20+$0x90 ss:$0x1] =	vst.idx.msk $0xffff, v1;
	v1 =	vadd.f32 v13, v7;
	v7 =	vmul.f32 $8.000000000e+00, v8;
	v8 =	vld [tilespmem:s20+$0x19020]  }
0x54: {  	[tilespmem:v0+s20+$0x110 ss:$0x1] =	vst.idx.msk $0xffff, v2;
	v2 =	vadd.f32 v4, v5;
	v4 =	vld.idx.msk [tilespmem:v0+s20+$0xA0 ss:$0x1], $0xffff  }
0x55: {  	[tilespmem:v0+s20+$0x190 ss:$0x1] =	vst.idx.msk $0xffff, v1;
	v1 =	vadd.f32 v9, v3;
	v3 =	vld.idx.msk [tilespmem:v0+s20+$0x120 ss:$0x1], $0xffff  }
0x56: {  	v9 =	vld [tilespmem:s20+$0x190A0]  }
0x57: {  	[tilespmem:v0+s20+$0x210 ss:$0x1] =	vst.idx.msk $0xffff, v2;
	v2 =	vld.idx.msk [tilespmem:v0+s20+$0x1A0 ss:$0x1], $0xffff  }
0x58: {  	v5 =	vadd.f32 v10, v7;
	v10 =	vld [tilespmem:s20+$0x19120]  }
0x59: {  	v12 =	vld [tilespmem:s20+$0x191A0]  }
0x5a: {  	[tilespmem:v0+s20+$0x290 ss:$0x1] =	vst.idx.msk $0xffff, v1;
	v1 =	vld.idx.msk [tilespmem:v0+s20+$0x220 ss:$0x1], $0xffff  }
0x5b: {  	v6 =	vmul.f32 $8.000000000e+00, v6;
	v13 =	vld [tilespmem:s20+$0x19220]  }
0x5c: {  	v7 =	vld.idx.msk [tilespmem:v0+s20+$0x2A0 ss:$0x1], $0xffff  }
0x5d: {  	[tilespmem:v0+s20+$0x310 ss:$0x1] =	vst.idx.msk $0xffff, v5;
	v6 =	vadd.f32 v8, v6;
	v8 =	vld [tilespmem:s20+$0x192A0]  }
0x5e: {  	v5 =	vld.idx.msk [tilespmem:v0+s20+$0x320 ss:$0x1], $0xffff;
	v4 =	vmul.f32 $8.000000000e+00, v4  }
0x5f: {  	v3 =	vmul.f32 $8.000000000e+00, v3;
	[tilespmem:v0+s20+$0x20 ss:$0x1] =	vst.idx.msk $0xffff, v6;
	v6 =	vld [tilespmem:s20+$0x193B0]  }
0x60: {  	v2 =	vmul.f32 $8.000000000e+00, v2;
	v4 =	vadd.f32 v9, v4;
	v9 =	vld [tilespmem:s20+$0x19320]  }
0x61: {  	v1 =	vmul.f32 $8.000000000e+00, v1;
	v3 =	vadd.f32 v10, v3;
	v10 =	vld.idx.msk [tilespmem:v0+s20+$0x30 ss:$0x1], $0xffff  }
0x62: {  	v7 =	vmul.f32 $8.000000000e+00, v7;
	[tilespmem:v0+s20+$0xA0 ss:$0x1] =	vst.idx.msk $0xffff, v4;
	v2 =	vadd.f32 v12, v2;
	v12 =	vld [tilespmem:s20+$0x19030]  }
0x63: {  	s21 =	sshrl.u32 s21, $0x9;
	v4 =	vmul.f32 $8.000000000e+00, v5;
	v14 =	vld.idx.msk [tilespmem:v0+s20+$0xB0 ss:$0x1], $0xffff;
	[tilespmem:v0+s20+$0x120 ss:$0x1] =	vst.idx.msk $0xffff, v3;
	v1 =	vadd.f32 v13, v1  }
0x64: {  	s21 =	sand.u32 $0x7F, s21;
	v3 =	vld.idx.msk [tilespmem:v0+s20+$0x130 ss:$0x1], $0xffff;
	[tilespmem:v0+s20+$0x1A0 ss:$0x1] =	vst.idx.msk $0xffff, v2;
	v2 =	vadd.f32 v8, v7  }
0x65: {  	s21 =	smul.u32 $0x3, s21;
	v13 =	vld.idx.msk [tilespmem:v0+s20+$0x1B0 ss:$0x1], $0xffff;
	[tilespmem:v0+s20+$0x220 ss:$0x1] =	vst.idx.msk $0xffff, v1;
	v1 =	vadd.f32 v9, v4  }
0x66: {  	v4 =	vld.idx.msk [tilespmem:v0+s20+$0x230 ss:$0x1], $0xffff;
	[tilespmem:v0+s20+$0x2A0 ss:$0x1] =	vst.idx.msk $0xffff, v2  }
0x67: {  	s21 =	ssub.s32 s18, s21;
	v15 =	vld.idx.msk [tilespmem:v0+s20+$0x2B0 ss:$0x1], $0xffff;
	[tilespmem:v0+s20+$0x320 ss:$0x1] =	vst.idx.msk $0xffff, v1  }
0x68: {  	s21 =	sand.u32 $0xFF, s21;
	v2 =	vmul.f32 $8.000000000e+00, v11;
	v1 =	vld.idx.msk [tilespmem:v0+s20+$0x330 ss:$0x1], $0xffff  }
0x69: {  	s21 =	smul.u32 $0x19000, s21;
	v5 =	vld [tilespmem:s20+$0x190B0]  }
0x6a: {  	v7 =	vld [tilespmem:s20+$0x19130];
	v10 =	vmul.f32 $8.000000000e+00, v10;
	v11 =	vadd.f32 v6, v2;
	v8 =	vmul.f32 $8.000000000e+00, v14  }
0x6b: {  	s21 =	sshrl.u32 s21, $0x2;
	v9 =	vld [tilespmem:s20+$0x191B0];
	v6 =	vmul.f32 $8.000000000e+00, v3;
	v2 =	vmul.f32 $8.000000000e+00, v13  }
0x6c: {  	s21 =	sadd.s32 $0x6400, s21;
	s23 =	simm.s32 $0x1000;
	s22 =	simm.s32 $0x0;
	[tilespmem:v0+s20+$0x3B0 ss:$0x1] =	vst.idx.msk $0xffff, v11;
	v11 =	vld [tilespmem:s20+$0x19230];
	v4 =	vmul.f32 $8.000000000e+00, v4;
	v3 =	vmul.f32 $8.000000000e+00, v15  }
.LBB2_3:
0x6d: {  	s24 =	sshra.s32 s23, $0x2;
	s22 =	sadd.s32 $0x8, s22;
	v10 =	vadd.f32 v12, v10;
	v12 =	vld [tilespmem:s20+$0x192B0];
	v1 =	vmul.f32 $8.000000000e+00, v1  }
0x6e: {  	v13 =	vld.idx.msk [tilespmem:v0+s24+$0x380 ss:$0x1], $0xffff;
	p0 =	slt.u32 s22, $0xC0;
	v5 =	vadd.f32 v5, v8  }
0x6f: {  	v8 =	vld.idx.msk [tilespmem:v0+s24+$0x0 ss:$0x1], $0xffff;
	[tilespmem:v0+s20+$0x30 ss:$0x1] =	vst.idx.msk $0xffff, v10;
	v6 =	vadd.f32 v7, v6  }
0x70: {  	v7 =	vld.idx.msk [tilespmem:v0+s24+$0x80 ss:$0x1], $0xffff;
	[tilespmem:v0+s20+$0xB0 ss:$0x1] =	vst.idx.msk $0xffff, v5;
	v2 =	vadd.f32 v9, v2  }
0x71: {  	v5 =	vld [tilespmem:s24+$0x19380];
	[tilespmem:v0+s20+$0x130 ss:$0x1] =	vst.idx.msk $0xffff, v6;
	v4 =	vadd.f32 v11, v4  }
0x72: {  	v6 =	vld.idx.msk [tilespmem:v0+s24+$0x100 ss:$0x1], $0xffff;
	[tilespmem:v0+s20+$0x1B0 ss:$0x1] =	vst.idx.msk $0xffff, v2;
	v2 =	vadd.f32 v12, v3  }
0x73: {  	v3 =	vld.idx.msk [tilespmem:v0+s24+$0x180 ss:$0x1], $0xffff;
	[tilespmem:v0+s20+$0x230 ss:$0x1] =	vst.idx.msk $0xffff, v4  }
0x74: {  	v9 =	vmul.f32 $8.000000000e+00, v13;
	v4 =	vld.idx.msk [tilespmem:v0+s24+$0x200 ss:$0x1], $0xffff;
	[tilespmem:v0+s20+$0x2B0 ss:$0x1] =	vst.idx.msk $0xffff, v2  }
0x75: {  	v2 =	vmul.f32 $8.000000000e+00, v8;
	v8 =	vld.idx.msk [tilespmem:v0+s24+$0x280 ss:$0x1], $0xffff  }
0x76: {  	v7 =	vmul.f32 $8.000000000e+00, v7;
	v10 =	vld.idx.msk [tilespmem:v0+s24+$0x300 ss:$0x1], $0xffff;
	v5 =	vadd.f32 v5, v9  }
0x77: {  	v9 =	vld [tilespmem:s24+$0x19000]  }
0x78: {  	v6 =	vmul.f32 $8.000000000e+00, v6;
	v11 =	vld [tilespmem:s24+$0x19080];
	[tilespmem:v0+s24+$0x380 ss:$0x1] =	vst.idx.msk $0xffff, v5  }
0x79: {  	v3 =	vmul.f32 $8.000000000e+00, v3;
	v5 =	vld.idx.msk [tilespmem:v0+s24+$0x390 ss:$0x1], $0xffff  }
0x7a: {  	v4 =	vmul.f32 $8.000000000e+00, v4;
	v12 =	vld [tilespmem:s24+$0x19100]  }
0x7b: {  	v8 =	vmul.f32 $8.000000000e+00, v8;
	v13 =	vld [tilespmem:s24+$0x19180]  }
0x7c: {  	v2 =	vadd.f32 v9, v2;
	v9 =	vmul.f32 $8.000000000e+00, v10;
	v10 =	vld [tilespmem:s24+$0x19390]  }
0x7d: {  	v7 =	vadd.f32 v11, v7;
	v11 =	vld [tilespmem:s24+$0x19200]  }
0x7e: {  	[tilespmem:v0+s24+$0x0 ss:$0x1] =	vst.idx.msk $0xffff, v2;
	v2 =	vld [tilespmem:s24+$0x19280]  }
0x7f: {  	v5 =	vmul.f32 $8.000000000e+00, v5;
	[tilespmem:v0+s24+$0x80 ss:$0x1] =	vst.idx.msk $0xffff, v7;
	v6 =	vadd.f32 v12, v6;
	v7 =	vld [tilespmem:s24+$0x19300]  }
0x80: {  	v12 =	vld.idx.msk [tilespmem:v0+s24+$0x10 ss:$0x1], $0xffff;
	v3 =	vadd.f32 v13, v3  }
0x81: {  	v13 =	vld.idx.msk [tilespmem:v0+s24+$0x90 ss:$0x1], $0xffff;
	[tilespmem:v0+s24+$0x100 ss:$0x1] =	vst.idx.msk $0xffff, v6;
	v5 =	vadd.f32 v10, v5  }
0x82: {  	v6 =	vld.idx.msk [tilespmem:v0+s24+$0x110 ss:$0x1], $0xffff;
	[tilespmem:v0+s24+$0x180 ss:$0x1] =	vst.idx.msk $0xffff, v3;
	v3 =	vadd.f32 v11, v4  }
0x83: {  	v4 =	vld.idx.msk [tilespmem:v0+s24+$0x190 ss:$0x1], $0xffff;
	v2 =	vadd.f32 v2, v8;
	[tilespmem:v0+s24+$0x390 ss:$0x1] =	vst.idx.msk $0xffff, v5  }
0x84: {  	[tilespmem:v0+s24+$0x200 ss:$0x1] =	vst.idx.msk $0xffff, v3;
	v3 =	vadd.f32 v7, v9;
	v5 =	vld.idx.msk [tilespmem:v0+s24+$0x3A0 ss:$0x1], $0xffff  }
0x85: {  	v7 =	vld.idx.msk [tilespmem:v0+s24+$0x210 ss:$0x1], $0xffff;
	[tilespmem:v0+s24+$0x280 ss:$0x1] =	vst.idx.msk $0xffff, v2  }
0x86: {  	v2 =	vmul.f32 $8.000000000e+00, v12;
	v8 =	vld.idx.msk [tilespmem:v0+s24+$0x290 ss:$0x1], $0xffff;
	[tilespmem:v0+s24+$0x300 ss:$0x1] =	vst.idx.msk $0xffff, v3  }
0x87: {  	v3 =	vmul.f32 $8.000000000e+00, v13;
	v9 =	vld [tilespmem:s24+$0x193A0]  }
0x88: {  	v6 =	vmul.f32 $8.000000000e+00, v6;
	v10 =	vld.idx.msk [tilespmem:v0+s24+$0x310 ss:$0x1], $0xffff  }
0x89: {  	v4 =	vmul.f32 $8.000000000e+00, v4;
	v11 =	vld [tilespmem:s24+$0x19010]  }
0x8a: {  	v5 =	vmul.f32 $8.000000000e+00, v5;
	v12 =	vld [tilespmem:s24+$0x19090]  }
0x8b: {  	v7 =	vmul.f32 $8.000000000e+00, v7;
	v13 =	vld [tilespmem:s24+$0x19110]  }
0x8c: {  	v8 =	vmul.f32 $8.000000000e+00, v8;
	v14 =	vld [tilespmem:s24+$0x19190];
	v5 =	vadd.f32 v9, v5  }
0x8d: {  	v9 =	vld [tilespmem:s24+$0x19210]  }
0x8e: {  	v10 =	vmul.f32 $8.000000000e+00, v10;
	v2 =	vadd.f32 v11, v2;
	v11 =	vld [tilespmem:s24+$0x19290];
	[tilespmem:v0+s24+$0x3A0 ss:$0x1] =	vst.idx.msk $0xffff, v5  }
0x8f: {  	v3 =	vadd.f32 v12, v3;
	v5 =	vld.idx.msk [tilespmem:v0+s24+$0x3B0 ss:$0x1], $0xffff  }
0x90: {  	[tilespmem:v0+s24+$0x10 ss:$0x1] =	vst.idx.msk $0xffff, v2;
	v2 =	vadd.f32 v13, v6;
	v6 =	vld [tilespmem:s24+$0x19310]  }
0x91: {  	v12 =	vld.idx.msk [tilespmem:v0+s24+$0x20 ss:$0x1], $0xffff;
	[tilespmem:v0+s24+$0x90 ss:$0x1] =	vst.idx.msk $0xffff, v3;
	v3 =	vadd.f32 v14, v4  }
0x92: {  	[tilespmem:v0+s24+$0x110 ss:$0x1] =	vst.idx.msk $0xffff, v2;
	v2 =	vadd.f32 v9, v7;
	v4 =	vld [tilespmem:s24+$0x193B0]  }
0x93: {  	v7 =	vld.idx.msk [tilespmem:v0+s24+$0xA0 ss:$0x1], $0xffff;
	[tilespmem:v0+s24+$0x190 ss:$0x1] =	vst.idx.msk $0xffff, v3;
	v3 =	vadd.f32 v11, v8  }
0x94: {  	v8 =	vld.idx.msk [tilespmem:v0+s24+$0x120 ss:$0x1], $0xffff;
	[tilespmem:v0+s24+$0x210 ss:$0x1] =	vst.idx.msk $0xffff, v2  }
0x95: {  	v5 =	vmul.f32 $8.000000000e+00, v5;
	v2 =	vld.idx.msk [tilespmem:v0+s24+$0x1A0 ss:$0x1], $0xffff;
	[tilespmem:v0+s24+$0x290 ss:$0x1] =	vst.idx.msk $0xffff, v3;
	v3 =	vadd.f32 v6, v10  }
0x96: {  	v6 =	vld.idx.msk [tilespmem:v0+s24+$0x220 ss:$0x1], $0xffff  }
0x97: {  	v9 =	vmul.f32 $8.000000000e+00, v12;
	v10 =	vld.idx.msk [tilespmem:v0+s24+$0x2A0 ss:$0x1], $0xffff;
	[tilespmem:v0+s24+$0x310 ss:$0x1] =	vst.idx.msk $0xffff, v3;
	v3 =	vadd.f32 v4, v5  }
0x98: {  	v4 =	vld.idx.msk [tilespmem:v0+s24+$0x320 ss:$0x1], $0xffff  }
0x99: {  	v7 =	vmul.f32 $8.000000000e+00, v7;
	v5 =	vld [tilespmem:s24+$0x19020];
	[tilespmem:v0+s24+$0x3B0 ss:$0x1] =	vst.idx.msk $0xffff, v3  }
0x9a: {  	v8 =	vmul.f32 $8.000000000e+00, v8;
	v3 =	vld [tilespmem:s24+$0x190A0]  }
0x9b: {  	v2 =	vmul.f32 $8.000000000e+00, v2;
	v11 =	vld [tilespmem:s24+$0x19120]  }
0x9c: {  	v6 =	vmul.f32 $8.000000000e+00, v6;
	v12 =	vld [tilespmem:s24+$0x191A0]  }
0x9d: {  	v10 =	vmul.f32 $8.000000000e+00, v10;
	v13 =	vld [tilespmem:s24+$0x19220]  }
0x9e: {  	v4 =	vmul.f32 $8.000000000e+00, v4;
	v5 =	vadd.f32 v5, v9;
	v9 =	vld [tilespmem:s24+$0x192A0]  }
0x9f: {  	v3 =	vadd.f32 v3, v7;
	v7 =	vld [tilespmem:s24+$0x19320]  }
0xa0: {  	[tilespmem:v0+s24+$0x20 ss:$0x1] =	vst.idx.msk $0xffff, v5;
	v5 =	vadd.f32 v11, v8;
	v8 =	vld [tilespmem:s20+$0x19330]  }
0xa1: {  	v11 =	vld.idx.msk [tilespmem:v0+s24+$0x30 ss:$0x1], $0xffff;
	[tilespmem:v0+s24+$0xA0 ss:$0x1] =	vst.idx.msk $0xffff, v3;
	v2 =	vadd.f32 v12, v2  }
0xa2: {  	v3 =	vld.idx.msk [tilespmem:v0+s24+$0xB0 ss:$0x1], $0xffff;
	[tilespmem:v0+s24+$0x120 ss:$0x1] =	vst.idx.msk $0xffff, v5;
	v5 =	vadd.f32 v13, v6  }
0xa3: {  	v6 =	vld.idx.msk [tilespmem:v0+s24+$0x130 ss:$0x1], $0xffff;
	[tilespmem:v0+s24+$0x1A0 ss:$0x1] =	vst.idx.msk $0xffff, v2;
	v2 =	vadd.f32 v9, v10  }
0xa4: {  	v9 =	vld.idx.msk [tilespmem:v0+s24+$0x1B0 ss:$0x1], $0xffff;
	[tilespmem:v0+s24+$0x220 ss:$0x1] =	vst.idx.msk $0xffff, v5;
	v4 =	vadd.f32 v7, v4  }
0xa5: {  	v13 =	vld.idx.msk [tilespmem:v0+s24+$0x230 ss:$0x1], $0xffff;
	[tilespmem:v0+s24+$0x2A0 ss:$0x1] =	vst.idx.msk $0xffff, v2;
	v2 =	vadd.f32 v8, v1  }
0xa6: {  	v14 =	vld.idx.msk [tilespmem:v0+s24+$0x2B0 ss:$0x1], $0xffff;
	[tilespmem:v0+s24+$0x320 ss:$0x1] =	vst.idx.msk $0xffff, v4  }
0xa7: {  	v10 =	vmul.f32 $8.000000000e+00, v11;
	v1 =	vld.idx.msk [tilespmem:v0+s24+$0x330 ss:$0x1], $0xffff;
	[tilespmem:v0+s20+$0x330 ss:$0x1] =	vst.idx.msk $0xffff, v2;
	s20 =	smov.u32 s24  }
.Ltmp0:
0xa8: {  	v8 =	vmul.f32 $8.000000000e+00, v3;
	v12 =	vld [tilespmem:s20+$0x19030];
	(pc) =	sbr.rel @p0 .LBB2_3-.Ltmp0, $4  }
0xa9: {  	v6 =	vmul.f32 $8.000000000e+00, v6;
	v5 =	vld [tilespmem:s20+$0x190B0]  }
0xaa: {  	v2 =	vmul.f32 $8.000000000e+00, v9;
	v7 =	vld [tilespmem:s20+$0x19130]  }
0xab: {  	v4 =	vmul.f32 $8.000000000e+00, v13;
	v9 =	vld [tilespmem:s20+$0x191B0]  }
0xac: {  	s23 =	sadd.s32 $0x1000, s23;
	v3 =	vmul.f32 $8.000000000e+00, v14;
	v11 =	vld [tilespmem:s20+$0x19230]  }
0xad: {  	_ =	sdelay $0x1  }
0xae: {  	v10 =	vadd.f32 v12, v10;
	v61 =	vld [tilespmem:s20+$0x192B0]  }
0xaf: {  	v62 =	vld [tilespmem:s20+$0x19330];
	v5 =	vadd.f32 v5, v8  }
0xb0: {  	[tilespmem:v0+s20+$0x30 ss:$0x1] =	vst.idx.msk $0xffff, v10;
	v6 =	vadd.f32 v7, v6  }
0xb1: {  	[tilespmem:v0+s20+$0xB0 ss:$0x1] =	vst.idx.msk $0xffff, v5;
	v2 =	vadd.f32 v9, v2  }
0xb2: {  	v1 =	vmul.f32 $8.000000000e+00, v1;
	s18 =	sadd.s32 s6, s18;
	[tilespmem:v0+s20+$0x130 ss:$0x1] =	vst.idx.msk $0xffff, v6;
	v4 =	vadd.f32 v11, v4  }
0xb3: {  	p0 =	sne.s32 s19, $0x80;
	s18 =	smul.u32 $0xC80, s18;
	[tilespmem:v0+s20+$0x1B0 ss:$0x1] =	vst.idx.msk $0xffff, v2;
	v63 =	vadd.f32 v61, v3  }
.Ltmp1:
0xb4: {  	v1 =	vadd.f32 v62, v1;
	[tilespmem:v0+s20+$0x230 ss:$0x1] =	vst.idx.msk $0xffff, v4;
	(pc) =	sbr.rel @p0 .LBB2_2-.Ltmp1, $4  }
0xb5: {  	[tilespmem:v0+s20+$0x2B0 ss:$0x1] =	vst.idx.msk $0xffff, v63  }
0xb6: {  	s18 =	sadd.s32 s5, s18;
	[tilespmem:v0+s20+$0x330 ss:$0x1] =	vst.idx.msk $0xffff, v1  }
0xb7: {  	[hbm4b:s18+s2] =	stream.linear.scatter [tilespmem:s21], [sflag:$0x2], $0x6400, $0x38;
	[tilespmem:$0x1F400] =	vst v63  }
0xb8: {  	s17 =	sadd.s32 $0x6400, s17;
	s18 =	smov.u32 s19  }
0xb9: {  	s16 =	sadd.s32 $0x1, s16  }
0xba: {  	_ =	swait.ge [sflag:s15], $0x6400;
	p0 =	sne.s32 s16, s8  }
.Ltmp2:
0xbb: {  	[sflag:s15] =	ssyncset.done $0x0;
	(pc) =	sbr.rel @p0 .LBB2_1-.Ltmp2, $4  }
0xbc: {  	[sflag:s15] =	ssyncadd.s32 $0xFFFF9C00  }
0xbd: {  	_ =	swait.ge [sflag:s15], $0x6400  }
0xbe: {  	[sflag:s15] =	ssyncset.done $0x0  }
0xbf: {  	[sflag:s15] =	ssyncadd.s32 $0xFFFF9C00  }
0xc0: {  	_ =	sfence.sel $0x180000  }
0xc1: {  	[bflag:$0x0] =	sbarrier.arrive $0xFFFF  }
0xc2: {  	p0 =	sne.s32 s1, $0x0;
	_ =	strace $0x90000047  }
0xc3: {  	s0 =	sadd.s32 @!p0 $0x100000, s0;
	[bflag:$0x2] =	sbarrier.arrive $0xFFFF  }
0xc4: {  	[sflag:s0] =	ssyncadd.tile.s32 @!p0 $0x1;
	_ =	shalt  }
.Lfunc_end2:
_tile_overlayer_lowered:
.L_overlay_start_2:
0xc5: {  	(tag) =	ssettag $0x2  }
0xc6: {  	s0 =	rddreg [dreg:$0x0];
	s2 =	stileid.u32  }
0xc7: {  	s1 =	rddreg [dreg:$0x1];
	p0 =	sne.s32 s2, $0x0  }
0xc8: {  	s3 =	rddreg [dreg:$0x2];
	[bflag:$0x3] =	sbarrier.arrive $0xFFFF;
	s2 =	simm.s32 @!p0 $0x1C03  }
0xc9: {  	[timem:s3], [sflag:s2] =	dma.local @!p0 [hbm:s0], s1  }
0xca: {  	s0 =	simm.s32 @!p0 $0x3  }
0xcb: {  	_ =	swait.ge @!p0 [sflag:s0], s1  }
0xcc: {  	s1 =	ssub.s32 @!p0 $0x0, s1;
	[sflag:s0] =	ssyncset.done @!p0 $0x0  }
0xcd: {  	[sflag:s0] =	ssyncadd.s32 @!p0 s1  }
0xce: {  	[bflag:$0x3] =	sbarrier.arrive $0xFFFF  }
0xcf: {  	_ =	shalt  }

// kernel: sparse-core-data-format-call.cloned.1.call-start
scs
called_computation_lowered:
.L_overlay_start_0:
0x0: {  	s2 =	sld [smem:$0x3FD9]  }
0x1: {  	s3 =	sld [smem:$0x3FFE];
	_ =	sdelay $0x1  }
0x2: {  	s1 =	srdreg.scid  }
0x3: {  	s0 =	sand.u32 $0x1, s1  }
0x4: {  	s18 =	sshll.u32 s0, $0xA;
	s2 =	sadd.s32 s3, s2  }
0x5: {  	s2 =	sadd.s32 s2, s18  }
0x6: {  	[smem:$0x3FC5] =	sst s2  }
0x7: {  	_ = 	snop  }
0x8: {  	s2 =	sld [smem:$0x3FD0];
	(tm) =	ssettm $0x1  }
0x9: {  	s19 =	sld [smem:$0x3FFB];
	_ =	sdelay $0x3  }
0xa: {  	_ =	strace s19  }
0xb: {  	s3 =	sld [smem:$0x3FFC];
	_ =	sdelay $0x3  }
0xc: {  	_ =	strace s3  }
0xd: {  	s3 =	sld [smem:$0x3FFD];
	_ =	sdelay $0x3  }
0xe: {  	_ =	strace s3  }
0xf: {  	_ =	strace $0x8FFFFFFF  }
0x10: {  	s20 =	sld [smem:$0x3FDB];
	_ =	sdelay $0x1  }
0x11: {  	s4 =	simm.s32 $_scs_section_size  }
0x12: {  	s5 =	simm.s32 $_size__tile_overlayer_lowered;
	s6 =	simm.s32 $_tile_overlayer_lowered  }
0x13: {  	s23 =	simm.s32 $0x1BFF;
	s22 =	sshll.u32 s6, $0x1;
	s3 =	sadd.s32 s4, s20  }
0x14: {  	s7 =	simm.s32 $0x0;
	s21 =	sshll.u32 s5, $0x1;
	s5 =	sadd.s32 s22, s3  }
0x15: {  	[timem:s7], [sflag:s23] =	dma.local [hbm:s5], s21  }
0x16: {  	_ =	swait.ge [sflag:s23], s21  }
0x17: {  	s4 =	ssub.s32 $0x0, s21;
	[sflag:s23] =	ssyncset.done $0x0  }
0x18: {  	[sflag:s23] =	ssyncadd.s32 s4;
	_ =	sdelay $0x1  }
0x19: {  	s24 =	simm.s32 $0x1B8B  }
0x1a: {  	_ =	swait.ge [sflag:s24], $0x1  }
0x1b: {  	[sflag:s24] =	ssyncset.done $0x0  }
0x1c: {  	s26 =	simm.s32 $0x1B8E;
	s25 =	sld [smem:$0x3FFE];
	[sflag:s24] =	ssyncadd.s32 $0xFFFFFFFF  }
0x1d: {  	s27 =	simm.s32 $execute0_lowered;
	[smem:$0x3FD2] =	sst s26  }
0x1e: {  	s5 =	sshll.u32 s27, $0x1;
	_ =	strace $0x80000049;
	[dreg:$0x1] =	wrdreg $0xFFFFFFFF  }
0x1f: {  	s28 =	simm.s32 $_size_execute0_lowered;
	s3 =	sadd.s32 s3, s5;
	[dreg:$0x0] =	wrdreg $0x0  }
0x20: {  	s5 =	sshll.u32 s28, $0x1;
	[dreg:$0x2] =	wrdreg s3  }
0x21: {  	[dreg:$0x3] =	wrdreg s5  }
0x22: {  	[dreg:$0x4] =	wrdreg $0xC0  }
0x23: {  	_ =	task [dreg:s7], $0x5FFFF  }
0x24: {  	[dreg:$0x1] =	wrdreg $0xFFFFFFFF  }
0x25: {  	[dreg:$0x0] =	wrdreg $0x60  }
0x26: {  	[dreg:$0x2] =	wrdreg s25  }
0x27: {  	[dreg:$0x3] =	wrdreg s2  }
0x28: {  	[dreg:$0x4] =	wrdreg $0x9  }
0x29: {  	_ =	task.clear_ibuf [dreg:s7], $0x5FFFF;
	_ =	strace $0x90000049  }
0x2a: {  	s29 =	simm.s32 $0x9;
	_ =	strace $0x8000004B  }
0x2b: {  	_ =	swait.ge [sflag:s29], $0x1  }
0x2c: {  	[sflag:s29] =	ssyncadd.s32 $0xFFFFFFFF  }
0x2d: {  	_ =	strace $0x9000004B  }
0x2e: {  	_ =	sfence  }
0x2f: {  	s30 =	sld [smem:$0x0];
	_ =	sdelay $0x2  }
0x30: {  	s31 =	sshll.u32 s1, $0xD;
	s1 =	sshrl.u32 s1, $0x2  }
0x31: {  	s3 =	sand.u32 $0x4000, s31;
	s1 =	sadd.s32 s1, s30  }
0x32: {  	s0 =	sor.u32 s3, s0;
	s1 =	sshll.u32 s1, $0x11  }
0x33: {  	s0 =	sor.u32 s1, s0  }
0x34: {  	s0 =	sadd.s32 $0x8F2B, s0  }
0x35: {  	[sflag:s0] =	ssyncadd.remote.s32 $0x1  }
0x36: {  	_ =	sfence.sel $0xFFFF  }
0x37: {  	[dreg:$0x0] =	wrdreg $0xFFFFFFFF;
	(pc) =	sbr.abs _section_cstart, $3  }
0x38: {  	[dreg:$0x1] =	wrdreg $0xFFFFFFFF  }
0x39: {  	_ =	task.clear_ibuf [dreg:s7], $0x2FFFF;
	_ =	strace $0x9FFFFFFF  }
0x3a: {  	(tm) =	ssettm $0x7FFFFFFF  }
0x3b: {  	_ =	shalt  }
tec
execute0_lowered:
.L_overlay_start_1:
0x0: {  	(tag) =	ssettag $0x1  }
0x1: {  	s0 =	srdreg.scid  }
0x2: {  	s1 =	sshll.u32 s0, $0x4  }
0x3: {  	s0 =	stileid.u32;
	s1 =	sand.u32 $0x10, s1  }
0x4: {  	s1 =	sor.u32 s0, s1  }
0x5: {  	s6 =	rddreg [dreg:$0x0];
	s4 =	simm.s32 $0x1;
	s2 =	sshll.u32 s1, $0x7  }
0x6: {  	s7 =	simm.s32 $0x2;
	s12 =	simm.s32 $0x0;
	s1 =	ssub.s32 $0x1000, s2  }
0x7: {  	s8 =	simm.s32 $0x8000;
	s13 =	simm.s32 $0x0;
	s3 =	sand.u32 $0xF80, s1  }
0x8: {  	s9 =	simm.s32 $0x0;
	s5 =	sshrl.u32 s1, $0xC;
	p0 =	sne.s32 s3, $0x0  }
.Ltmp0:
0x9: {  	s1 =	rddreg [dreg:$0x2];
	s4 =	simm.s32 @!p0 $0x0;
	(pc) =	sbr.rel .LBB1_1-.Ltmp0, $4  }
0xa: {  	s11 =	simm.s32 $0x0;
	s3 =	rddreg [dreg:$0x1];
	s5 =	sadd.s32 s4, s5  }
0xb: {  	_ =	strace $0x8000004A;
	s4 =	simm.s32 $0x1;
	s5 =	smul.u32 $0xC8, s5  }
0xc: {  	s6 =	sadd.s32 $0xC00, s6;
	s10 =	smov.u32 s2;
	[sflag:s4] =	ssyncpa.u1 $0x0  }
0xd: {  	p0 =	por $0x0, $0x0;
	[sflag:s7] =	ssyncpa.u1 $0x0;
	s7 =	sor.u32 $0x1, s5  }
.LBB1_4:
0xe: {  	s16 =	sshll.u32 s13, $0x3;
	s17 =	sand.u32 $0x78, s13  }
0xf: {  	s30 =	sand.u32 $0x7E00, s13;
	s12 =	sshll.u32 s12, $0xF;
	s16 =	sand.u32 $0xC00, s16  }
0x10: {  	[tilespmem:s15+$0x810 ss:$0x81] =	vst.msk $0xffff, v2;
	s31 =	sand.u32 $0x7, s13;
	s16 =	sor.u32 s17, s16;
	s17 =	sadd.s32 s3, s30  }
0x11: {  	[tilespmem:s15+$0x1020 ss:$0x81] =	vst.msk $0xffff, v0;
	s13 =	sshll.u32 s31, $0x12;
	s12 =	sadd.s32 s12, s17;
	s16 =	sshrl.u32 s16, $0x3  }
0x12: {  	[tilespmem:s15+$0x0 ss:$0x81] =	vst.msk $0xffff, v1;
	s13 =	sor.u32 $0x400, s13;
	s12 =	sadd.s32 s16, s12  }
0x13: {  	[hbm4b:s12+s13] =	stream.strided.scatter [tilespmem:s14], [sflag:$0x2], $0x2000, s8, s13, $0x20;
	[tilespmem:$0x8080] =	vst v63  }
.LBB1_5:
0x14: {  	s14 =	sadd.s32 $0x1, s9  }
0x15: {  	s12 =	sadd.s32 $0x1000, s10;
	s16 =	smov.u32 s10;
	p2 =	sgt.s32 s14, $0xC7  }
0x16: {  	s16 =	smov.u32 @p2 s12  }
0x17: {  	s14 =	simm.s32 @p2 $0x0;
	p2 =	sgt.s32 s16, $0xFFF  }
0x18: {  	s16 =	smov.u32 @p2 s2;
	p2 =	sne.s32 s11, s7  }
.Ltmp1:
0x19: {  	p1 =	slt.u32 s11, $0x2;
	(pc) =	sbr.rel @!p2 .LBB1_6-.Ltmp1, $4  }
0x1a: {  	s15 =	simm.s32 @!p1 $0x2  }
0x1b: {  	s13 =	smov.u32 s10;
	p0 =	por !p0, !p0;
	_ =	swait.ge @!p1 [sflag:s15], $0x2000  }
0x1c: {  	s12 =	smov.u32 s9;
	[sflag:s15] =	ssyncset.done @!p1 $0x0;
	s9 =	smov.u32 s14  }
0x1d: {  	s11 =	sadd.s32 $0x1, s11;
	[sflag:s15] =	ssyncadd.s32 @!p1 $0xFFFFE000;
	s10 =	smov.u32 s16  }
.LBB1_1:
0x1e: {  	p1 =	sge.u32 s11, s5  }
0x1f: {  	s14 =	sand.u32 @!p1 $0x1FFFFFF, s9  }
0x20: {  	s15 =	smulhi.u32 @!p1 $0x147AE15, s14;
	_ =	sdelay $0x1  }
0x21: {  	s15 =	smul.u32 @!p1 $0xC8, s15  }
0x22: {  	s16 =	sxor.u32 @!p1 $0xFFFFFFFF, s11;
	s17 =	smul.u32 @!p1 $0xC80, s10  }
0x23: {  	s31 =	sadd.s32 $0xFFFFFFFF, s11;
	s16 =	sshll.u32 @!p1 s16, $0xD;
	s14 =	ssub.s32 @!p1 s14, s15  }
0x24: {  	s15 =	sand.u32 @!p1 $0x2000, s16;
	s16 =	sadd.s32 @!p1 s6, s17;
	s14 =	sshll.u32 @!p1 s14, $0x4  }
0x25: {  	s17 =	simm.s32 @!p1 $0x6400;
	s14 =	sadd.s32 @!p1 s14, s16;
	s16 =	simm.s32 @!p1 $0x40  }
0x26: {  	[tilespmem:s15], [sflag:$0x1] =	stream.strided.gather @!p1 [hbm4b:s14+s16], $0x2000, s17, s16, $0x38;
	[tilespmem:$0x8080] =	vst v63  }
0x27: {  	p1 =	sge.u32 s31, s5  }
.Ltmp2:
0x28: {  	_ = 	snop;
	(pc) =	sbr.rel @p1 .LBB1_5-.Ltmp2, $1  }
0x29: {  	_ =	sdelay $0x3  }
0x2a: {  	s14 =	simm.s32 $0x1  }
0x2b: {  	_ =	swait.ge [sflag:s4], $0x2000;
	s14 =	simm.s32 @!p0 $0x0  }
0x2c: {  	[sflag:s4] =	ssyncset.done $0x0;
	s15 =	sshll.u32 s14, $0xD  }
0x2d: {  	[sflag:s4] =	ssyncadd.s32 $0xFFFFE000;
	s18 =	sor.u32 $0x20, s15  }
0x2e: {  	s14 =	smul.u32 $0x8100, s14;
	v3 =	vld [tilespmem:s18+$0x10]  }
0x2f: {  	s30 =	sand.u32 $0x1, s11;
	v2 =	vld [tilespmem:s18+$0xFFFFFFF0]  }
0x30: {  	s15 =	smul.u32 $0x8100, s30;
	s14 =	sshrl.u32 s14, $0x2;
	v0 =	vld [tilespmem:s18+$0x0]  }
0x31: {  	v1 =	vld [tilespmem:s18+$0xFFFFFFE0];
	s16 =	sor.u32 $0x4000, s14  }
0x32: {  	s31 =	sshrl.u32 s15, $0x2;
	s15 =	sadd.s32 $0x0, s16  }
0x33: {  	s17 =	simm.s32 $0x4;
	s18 =	sadd.s32 $0x40, s18;
	s14 =	sor.u32 $0x4000, s31;
	[tilespmem:s15+$0x1830 ss:$0x81] =	vst.msk $0xffff, v3  }
.LBB1_3:
0x34: {  	v3 =	vld [tilespmem:s18+$0x10];
	p1 =	sne.s32 s17, $0x1FC;
	[tilespmem:s15+$0x810 ss:$0x81] =	vst.msk $0xffff, v2;
	s19 =	smov.u32 s17;
	s17 =	sadd.s32 $0x4, s17  }
.Ltmp3:
0x35: {  	v2 =	vld [tilespmem:s18+$0xFFFFFFF0];
	[tilespmem:s15+$0x1020 ss:$0x81] =	vst.msk $0xffff, v0;
	(pc) =	sbr.rel @p1 .LBB1_3-.Ltmp3, $4  }
0x36: {  	v0 =	vld [tilespmem:s18+$0x0];
	[tilespmem:s15+$0x0 ss:$0x81] =	vst.msk $0xffff, v1  }
0x37: {  	s15 =	sshra.s32 s19, $0x2;
	v1 =	vld [tilespmem:s18+$0xFFFFFFE0]  }
0x38: {  	s15 =	sadd.s32 s15, s16  }
0x39: {  	s18 =	sadd.s32 $0x40, s18;
	[tilespmem:s15+$0x1830 ss:$0x81] =	vst.msk $0xffff, v3  }
.Ltmp4:
0x3a: {  	_ = 	snop;
	(pc) =	sbr.rel .LBB1_4-.Ltmp4, $1  }
0x3b: {  	_ =	sdelay $0x3  }
.LBB1_6:
0x3c: {  	_ =	sfence.sel $0x180000  }
0x3d: {  	s2 =	simm.s32 $0x1;
	[bflag:$0x0] =	sbarrier.arrive $0xFFFF  }
0x3e: {  	s31 =	simm.s32 $0x2;
	[sflag:s2] =	ssyncpa.u1 $0x1  }
0x3f: {  	[sflag:s31] =	ssyncpa.u1 $0x1  }
0x40: {  	p0 =	sne.s32 s0, $0x0;
	_ =	strace $0x9000004A  }
0x41: {  	s0 =	sadd.s32 @!p0 $0x100000, s1;
	[bflag:$0x2] =	sbarrier.arrive $0xFFFF  }
0x42: {  	[sflag:s0] =	ssyncadd.tile.s32 @!p0 $0x1;
	_ =	shalt  }
.Lfunc_end1:
_tile_overlayer_lowered:
.L_overlay_start_2:
0x43: {  	(tag) =	ssettag $0x2  }
0x44: {  	s0 =	rddreg [dreg:$0x0];
	s2 =	stileid.u32  }
0x45: {  	s1 =	rddreg [dreg:$0x1];
	p0 =	sne.s32 s2, $0x0  }
0x46: {  	s3 =	rddreg [dreg:$0x2];
	[bflag:$0x3] =	sbarrier.arrive $0xFFFF;
	s2 =	simm.s32 @!p0 $0x1C01  }
0x47: {  	[timem:s3], [sflag:s2] =	dma.local @!p0 [hbm:s0], s1  }
0x48: {  	s0 =	simm.s32 @!p0 $0x1  }
0x49: {  	_ =	swait.ge @!p0 [sflag:s0], s1  }
0x4a: {  	s1 =	ssub.s32 @!p0 $0x0, s1;
	[sflag:s0] =	ssyncset.done @!p0 $0x0  }
0x4b: {  	[sflag:s0] =	ssyncadd.s32 @!p0 s1  }
0x4c: {  	[bflag:$0x3] =	sbarrier.arrive $0xFFFF  }
0x4d: {  	_ =	shalt  }

</sc_bundles>
